<compile_context>
chip_gen: v7x
topology: tpu7x:2x2x1
jax: 0.10.2.dev20260603
libtpu: 0.0.44.dev20260713+nightly
codegen_flags: <defaults>
</compile_context>

<pallas_src>
import jax
import jax.numpy as jnp
from jax import lax
from jax.experimental import pallas as pl
from jax.experimental.pallas import tpu as pltpu
from jax.experimental.pallas import tpu_sc as plsc

B = 16
N = 10000
NPER = 625
E = 320000
DF = 256
DE = 4

R = NPER * NPER
HALF1 = 195312
HALF2 = R - HALF1

WMAX = HALF2 + 7
DUMMY_BASE = WMAX + 8
DUMMY = 2048
ACC_ROWS = DUMMY_BASE + DUMMY

NC = 2
NS = 16
WPC = 16
EPT = E // NS
SCH = 2000
CH = 800
NCH = EPT // CH
VREG = 16

ZPT = 12208
WPT = 12208


def _adj_body(ei_hbm, attr_hbm, zeros_hbm, out_hbm,
              row_v, sbuf, dbuf, idx_v, upd_v, acc, sem_w):
    c = lax.axis_index("c")
    s = lax.axis_index("s")
    ebase = s * EPT

    def stage_chunk(k, carry):
        soff = pl.multiple_of(ebase + k * SCH, 8)
        pltpu.sync_copy(ei_hbm.at[pl.ds(soff, SCH)], sbuf)
        pltpu.sync_copy(ei_hbm.at[pl.ds(E + soff, SCH)], dbuf)

        def stage(i, carry2):
            sv = sbuf[pl.ds(i * VREG, VREG)]
            dv = dbuf[pl.ds(i * VREG, VREG)]
            row_v[pl.ds(k * SCH + i * VREG, VREG)] = sv * NPER + lax.rem(dv, NPER)
            return carry2

        lax.fori_loop(0, SCH // VREG, stage, None)
        return carry

    lax.fori_loop(0, EPT // SCH, stage_chunk, None)

    t15 = s == NS - 1
    zbase = s * ZPT
    zrem = ZPT - (ZPT // CH) * CH
    pltpu.sync_copy(zeros_hbm, upd_v)

    def window(w, carry):
        g = c * (B // NC) + (w >> 1)
        h = w & 1
        start = g * R + h * HALF1
        size = jnp.where(h == 1, HALF2, HALF1)
        gap = lax.rem(8 - (w >> 1), 8)
        spill = jnp.where(w == WPC - 1, 0, lax.rem(8 - ((w + 1) >> 1), 8))
        limit = size + spill

        def zero(z, carry2):
            pltpu.sync_copy(upd_v, acc.at[pl.ds(zbase + z * CH, CH)])
            return carry2

        lax.fori_loop(0, ZPT // CH, zero, None)

        @pl.when(jnp.logical_not(t15))
        def _():
            pltpu.sync_copy(upd_v.at[pl.ds(0, zrem)],
                            acc.at[pl.ds(zbase + (ZPT // CH) * CH, zrem)])

        @pl.when(t15)
        def _():
            pltpu.sync_copy(upd_v.at[pl.ds(0, zrem - 8)],
                            acc.at[pl.ds(zbase + (ZPT // CH) * CH, zrem - 8)])

        plsc.subcore_barrier()

        def chunk(k, carry2):
            def sel(i, carry3):
                row = row_v[pl.ds(k * CH + i * VREG, VREG)]
                diff = row - start
                valid = jnp.logical_and(diff >= 0, diff < limit)
                dummy = DUMMY_BASE + (row & (DUMMY - 1))
                idx_v[pl.ds(i * VREG, VREG)] = jnp.where(valid, diff, dummy)
                return carry3

            lax.fori_loop(0, CH // VREG, sel, None)
            aoff = pl.multiple_of(ebase + k * CH, 8)
            pltpu.sync_copy(attr_hbm.at[pl.ds(aoff, CH)], upd_v)
            pltpu.sync_copy(upd_v, acc.at[idx_v], add=True)
            return carry2

        lax.fori_loop(0, NCH, chunk, None)
        plsc.subcore_barrier()

        wstart = pl.multiple_of(start + gap + s * WPT, 8)

        @pl.when(jnp.logical_not(t15))
        def _():
            pltpu.async_copy(acc.at[pl.ds(gap + s * WPT, WPT)],
                             out_hbm.at[pl.ds(wstart, WPT)],
                             sem_w).wait()

        @pl.when(jnp.logical_and(t15, w == 1))
        def _():
            pltpu.async_copy(acc.at[pl.ds(gap + 15 * WPT, 12200)],
                             out_hbm.at[pl.ds(wstart, 12200)],
                             sem_w).wait()

        @pl.when(jnp.logical_and(t15, w != 1))
        def _():
            pltpu.async_copy(acc.at[pl.ds(gap + 15 * WPT, 12192)],
                             out_hbm.at[pl.ds(wstart, 12192)],
                             sem_w).wait()

        plsc.subcore_barrier()

        pltpu.sync_copy(zeros_hbm, upd_v)
        return carry

    lax.fori_loop(0, WPC, window, None)


def _make_adj():
    mesh = plsc.VectorSubcoreMesh(core_axis_name="c", subcore_axis_name="s",
                                  num_cores=NC, num_subcores=NS)
    return pl.kernel(
        _adj_body,
        out_type=jax.ShapeDtypeStruct((B * R, 8), jnp.float32),
        mesh=mesh,
        compiler_params=pltpu.CompilerParams(use_tc_tiling_on_sc=False),
        scratch_types=[
            pltpu.VMEM((EPT,), jnp.int32),
            pltpu.VMEM((SCH,), jnp.int32),
            pltpu.VMEM((SCH,), jnp.int32),
            pltpu.VMEM((CH,), jnp.int32),
            pltpu.VMEM((CH, 8), jnp.float32),
            pltpu.VMEM_SHARED((ACC_ROWS, 8), jnp.float32),
            pltpu.SemaphoreType.DMA,
        ],
    )


def kernel(x, edge_index, edge_attr, batch):
    zeros = jnp.zeros((CH, 8), jnp.float32)
    attr8 = jnp.concatenate([edge_attr, jnp.zeros((E, 8 - DE), jnp.float32)], axis=1)
    adj = _make_adj()(edge_index.reshape(2 * E), attr8, zeros)
    dense_adj = adj[:, :DE].reshape(B, NPER, NPER, DE)
    xs = x.reshape(B, NPER, DF)
    return dense_adj, xs

# --- scband reference (transcript-rebuilt; emitter-appended) ---
"""Pipeline reference for scband-rtmodel-17300128268714 (READ-ONLY COPY).

The authoritative reference and input builder live on the scoring server;
editing this copy changes nothing except your own understanding.
"""

import jax, jax.numpy as jnp
import numpy as np

B = 16        # number of graphs in the batch
N = 10000     # total nodes
NPER = N // B # nodes per graph (equal sizes required by torch.stack)
E = 320000    # total edges
DF = 256      # node feature dim
DE = 4        # edge attr dim


def setup_inputs(seed: int = 0) -> dict:
    key = jax.random.key(seed)
    k1, k2, k3, k4 = jax.random.split(key, 4)
    x = jax.random.normal(k1, (N, DF), dtype=jnp.float32)
    # batch vector: node i belongs to graph i // NPER (sorted, equal sizes)
    batch = (jnp.arange(N) // NPER).astype(jnp.int32)
    # edges must stay within a single graph for the unbatch logic to be valid
    src = jax.random.randint(k2, (E,), 0, N, dtype=jnp.int32)
    dst_local = jax.random.randint(k3, (E,), 0, NPER, dtype=jnp.int32)
    dst = (src // NPER) * NPER + dst_local
    edge_index = jnp.stack([src, dst], axis=0)
    edge_attr = jax.random.normal(k4, (E, DE), dtype=jnp.float32)
    return {"x": x, "edge_index": edge_index, "edge_attr": edge_attr, "batch": batch}


def reference(x, edge_index, edge_attr, batch):
    # --- unbatch_edge_attr / unbatch_edge_index logic ---
    deg = jnp.bincount(batch, length=B)                    # degree(batch): nodes per graph
    ptr = jnp.concatenate([jnp.zeros((1,), deg.dtype), jnp.cumsum(deg)[:-1]])
    src, dst = edge_index[0], edge_index[1]
    edge_batch = batch[src]                                # graph id of each edge (gather)
    src_local = src - ptr[edge_batch]                      # shift to per-graph index space
    dst_local = dst - ptr[edge_batch]
    # --- to_dense_adj(edge_index_i, edge_attr=attr_i) per graph, then stack ---
    # PyG to_dense_adj scatter-adds edge_attr into a dense [n, n, d_edge] adjacency.
    dense_adj = jnp.zeros((B, NPER, NPER, DE), dtype=x.dtype)
    dense_adj = dense_adj.at[edge_batch, src_local, dst_local].add(edge_attr)
    # --- torch.stack(unbatch(x, batch)) ---
    # batch is sorted with equal graph sizes, so unbatch+stack == reshape
    xs = x.reshape(B, NPER, DF)
    return dense_adj, xs

if __name__ == "__main__":
    import jax
    _d = setup_inputs()
    print(jax.jit(kernel)(*tuple(_d.values())))

</pallas_src>

<mosaic_0001>
#map = affine_map<(d0, d1) -> (0)>
#map1 = affine_map<(d0, d1) -> (0, 0)>
module attributes {stable_mosaic.version = 14 : i64} {
  func.func @_adj_body(%arg0: i32, %arg1: i32, %arg2: memref<640000xi32, #tpu.memory_space<hbm>>, %arg3: memref<320000x8xf32, #tpu.memory_space<hbm>>, %arg4: memref<800x8xf32, #tpu.memory_space<hbm>>, %arg5: memref<6250000x8xf32, #tpu.memory_space<hbm>>, %arg6: memref<20000xi32, #tpu.memory_space<vmem>>, %arg7: memref<2000xi32, #tpu.memory_space<vmem>>, %arg8: memref<2000xi32, #tpu.memory_space<vmem>>, %arg9: memref<800xi32, #tpu.memory_space<vmem>>, %arg10: memref<800x8xf32, #tpu.memory_space<vmem>>, %arg11: memref<197376x8xf32, #tpu.memory_space<vmem_shared>>, %arg12: memref<!tpu.dma_semaphore, #tpu.memory_space<semaphore_mem>>) attributes {dimension_semantics = [#tpu.dimension_semantics<core_parallel>, #tpu.dimension_semantics<subcore_parallel>], iteration_bounds = array<i64: 2, 16>, scalar_prefetch = 0 : i64, scratch_operands = 7 : i64, tpu.core_type = #tpu.core_type<sc_vector_subcore>, window_params = [{transform_indices = #map}, {transform_indices = #map1}, {transform_indices = #map1}, {transform_indices = #map1}]} {
    %mul3A = arith.constant 20000 : i32
    %mul3A_0 = arith.muli %arg1, %mul3A : i32
    %scan3A = arith.constant 0 : i32
    %scan3A_1 = arith.constant 10 : i32
    %scan3A_2 = arith.addi %scan3A, %scan3A_1 : i32
    %scan3A_3 = arith.constant 1 : i32
    scf.for %scan3A_13 = %scan3A to %scan3A_2 step %scan3A_3  : i32 {
      %mul3A_14 = arith.constant 2000 : i32
      %mul3A_15 = arith.muli %scan3A_13, %mul3A_14 : i32
      %add3A = arith.addi %mul3A_0, %mul3A_15 : i32
      %multiple_of3A = tpu.assume_multiple %add3A, 8 : i32
      "tpu.region"() ({
        %run_scoped3A = tpu.sem_alloc : memref<!tpu.dma_semaphore, #tpu.memory_space<semaphore_mem>>
        %dma_start3A = tpu.memref_slice %arg2[%multiple_of3A] : memref<640000xi32, #tpu.memory_space<hbm>> -> memref<2000xi32, #tpu.memory_space<hbm>>
        %dma_start3A_23 = tpu.memref_slice %arg2[%multiple_of3A] : memref<640000xi32, #tpu.memory_space<hbm>> -> memref<2000xi32, #tpu.memory_space<hbm>>
        tpu.enqueue_dma source(%dma_start3A_23 : memref<2000xi32, #tpu.memory_space<hbm>>) target(%arg7 : memref<2000xi32, #tpu.memory_space<vmem>>) target_semaphore(%run_scoped3A : memref<!tpu.dma_semaphore, #tpu.memory_space<semaphore_mem>>)
        %dma_wait3A = tpu.memref_slice %arg2[%multiple_of3A] : memref<640000xi32, #tpu.memory_space<hbm>> -> memref<2000xi32, #tpu.memory_space<hbm>>
        %dma_wait3A_24 = tpu.memref_slice %arg2[%multiple_of3A] : memref<640000xi32, #tpu.memory_space<hbm>> -> memref<2000xi32, #tpu.memory_space<hbm>>
        tpu.wait_dma2 semaphore(%run_scoped3A : memref<!tpu.dma_semaphore, #tpu.memory_space<semaphore_mem>>) src(%dma_wait3A_24 : memref<2000xi32, #tpu.memory_space<hbm>>) dst(%arg7 : memref<2000xi32, #tpu.memory_space<vmem>>)
        tpu.yield
      }) : () -> ()
      %add3A_16 = arith.constant 320000 : i32
      %add3A_17 = arith.addi %add3A_16, %multiple_of3A : i32
      "tpu.region"() ({
        %run_scoped3A = tpu.sem_alloc : memref<!tpu.dma_semaphore, #tpu.memory_space<semaphore_mem>>
        %dma_start3A = tpu.memref_slice %arg2[%add3A_17] : memref<640000xi32, #tpu.memory_space<hbm>> -> memref<2000xi32, #tpu.memory_space<hbm>>
        %dma_start3A_23 = tpu.memref_slice %arg2[%add3A_17] : memref<640000xi32, #tpu.memory_space<hbm>> -> memref<2000xi32, #tpu.memory_space<hbm>>
        tpu.enqueue_dma source(%dma_start3A_23 : memref<2000xi32, #tpu.memory_space<hbm>>) target(%arg8 : memref<2000xi32, #tpu.memory_space<vmem>>) target_semaphore(%run_scoped3A : memref<!tpu.dma_semaphore, #tpu.memory_space<semaphore_mem>>)
        %dma_wait3A = tpu.memref_slice %arg2[%add3A_17] : memref<640000xi32, #tpu.memory_space<hbm>> -> memref<2000xi32, #tpu.memory_space<hbm>>
        %dma_wait3A_24 = tpu.memref_slice %arg2[%add3A_17] : memref<640000xi32, #tpu.memory_space<hbm>> -> memref<2000xi32, #tpu.memory_space<hbm>>
        tpu.wait_dma2 semaphore(%run_scoped3A : memref<!tpu.dma_semaphore, #tpu.memory_space<semaphore_mem>>) src(%dma_wait3A_24 : memref<2000xi32, #tpu.memory_space<hbm>>) dst(%arg8 : memref<2000xi32, #tpu.memory_space<vmem>>)
        tpu.yield
      }) : () -> ()
      %scan3A_18 = arith.constant 0 : i32
      %scan3A_19 = arith.constant 125 : i32
      %scan3A_20 = arith.addi %scan3A_18, %scan3A_19 : i32
      %scan3A_21 = arith.constant 1 : i32
      scf.for %scan3A_23 = %scan3A_18 to %scan3A_20 step %scan3A_21  : i32 {
        %mul3A_24 = arith.constant 16 : i32
        %mul3A_25 = arith.muli %scan3A_23, %mul3A_24 : i32
        %get3A = arith.index_cast %mul3A_25 : i32 to index
        %get3A_26 = tpu.vector_load %arg7[%get3A] {strides = array<i32>} : memref<2000xi32, #tpu.memory_space<vmem>>, vector<16xi32>,
        %get3A_27 = vector.shape_cast %get3A_26 : vector<16xi32> to vector<16xi32>
        %mul3A_28 = arith.constant 16 : i32
        %mul3A_29 = arith.muli %scan3A_23, %mul3A_28 : i32
        %get3A_30 = arith.index_cast %mul3A_29 : i32 to index
        %get3A_31 = tpu.vector_load %arg8[%get3A_30] {strides = array<i32>} : memref<2000xi32, #tpu.memory_space<vmem>>, vector<16xi32>,
        %get3A_32 = vector.shape_cast %get3A_31 : vector<16xi32> to vector<16xi32>
        %mul3A_33 = arith.constant 625 : i32
        %mul3A_34 = vector.broadcast %mul3A_33 : i32 to vector<16xi32>
        %mul3A_35 = arith.muli %get3A_27, %mul3A_34 : vector<16xi32>
        %rem3A = arith.constant 625 : i32
        %rem3A_36 = vector.broadcast %rem3A : i32 to vector<16xi32>
        %rem3A_37 = arith.remsi %get3A_32, %rem3A_36 : vector<16xi32>
        %add3A_38 = arith.addi %mul3A_35, %rem3A_37 : vector<16xi32>
        %mul3A_39 = arith.constant 2000 : i32
        %mul3A_40 = arith.muli %scan3A_13, %mul3A_39 : i32
        %mul3A_41 = arith.constant 16 : i32
        %mul3A_42 = arith.muli %scan3A_23, %mul3A_41 : i32
        %add3A_43 = arith.addi %mul3A_40, %mul3A_42 : i32
        %swap3A = arith.index_cast %add3A_43 : i32 to index
        %swap3A_44 = tpu.vector_load %arg6[%swap3A] {strides = array<i32>} : memref<20000xi32, #tpu.memory_space<vmem>>, vector<16xi32>,
        %swap3A_45 = vector.shape_cast %swap3A_44 : vector<16xi32> to vector<16xi32>
        %swap3A_46 = vector.shape_cast %add3A_38 : vector<16xi32> to vector<16xi32>
        tpu.vector_store %arg6[%swap3A], %swap3A_46 {strides = array<i32>} : memref<20000xi32, #tpu.memory_space<vmem>>, vector<16xi32>,
      }
      %scan3A_22 = arith.constant 125 : i32
    }
    %scan3A_4 = arith.constant 10 : i32
    %eq3A = arith.constant 15 : i32
    %eq3A_5 = arith.cmpi eq, %arg1, %eq3A : i32
    %mul3A_6 = arith.constant 12208 : i32
    %mul3A_7 = arith.muli %arg1, %mul3A_6 : i32
    "tpu.region"() ({
      %run_scoped3A = tpu.sem_alloc : memref<!tpu.dma_semaphore, #tpu.memory_space<semaphore_mem>>
      tpu.enqueue_dma source(%arg4 : memref<800x8xf32, #tpu.memory_space<hbm>>) target(%arg10 : memref<800x8xf32, #tpu.memory_space<vmem>>) target_semaphore(%run_scoped3A : memref<!tpu.dma_semaphore, #tpu.memory_space<semaphore_mem>>)
      tpu.wait_dma2 semaphore(%run_scoped3A : memref<!tpu.dma_semaphore, #tpu.memory_space<semaphore_mem>>) src(%arg4 : memref<800x8xf32, #tpu.memory_space<hbm>>) dst(%arg10 : memref<800x8xf32, #tpu.memory_space<vmem>>)
      tpu.yield
    }) : () -> ()
    %scan3A_8 = arith.constant 0 : i32
    %scan3A_9 = arith.constant 16 : i32
    %scan3A_10 = arith.addi %scan3A_8, %scan3A_9 : i32
    %scan3A_11 = arith.constant 1 : i32
    scf.for %scan3A_13 = %scan3A_8 to %scan3A_10 step %scan3A_11  : i32 {
      %mul3A_14 = arith.constant 8 : i32
      %mul3A_15 = arith.muli %arg0, %mul3A_14 : i32
      %shift_right_arithmetic3A = arith.constant 1 : i32
      %shift_right_arithmetic3A_16 = arith.shrsi %scan3A_13, %shift_right_arithmetic3A : i32
      %add3A = arith.addi %mul3A_15, %shift_right_arithmetic3A_16 : i32
      %and3A = arith.constant 1 : i32
      %and3A_17 = arith.andi %scan3A_13, %and3A : i32
      %mul3A_18 = arith.constant 390625 : i32
      %mul3A_19 = arith.muli %add3A, %mul3A_18 : i32
      %mul3A_20 = arith.constant 195312 : i32
      %mul3A_21 = arith.muli %and3A_17, %mul3A_20 : i32
      %add3A_22 = arith.addi %mul3A_19, %mul3A_21 : i32
      %eq3A_23 = arith.constant 1 : i32
      %eq3A_24 = arith.cmpi eq, %and3A_17, %eq3A_23 : i32
      %jit3A = arith.constant 195313 : i32
      %jit3A_25 = arith.constant 195312 : i32
      %select_n3A = arith.select %eq3A_24, %jit3A, %jit3A_25 : i32
      %shift_right_arithmetic3A_26 = arith.constant 1 : i32
      %shift_right_arithmetic3A_27 = arith.shrsi %scan3A_13, %shift_right_arithmetic3A_26 : i32
      %sub3A = arith.constant 8 : i32
      %sub3A_28 = arith.subi %sub3A, %shift_right_arithmetic3A_27 : i32
      %rem3A = arith.constant 8 : i32
      %rem3A_29 = arith.remsi %sub3A_28, %rem3A : i32
      %eq3A_30 = arith.constant 15 : i32
      %eq3A_31 = arith.cmpi eq, %scan3A_13, %eq3A_30 : i32
      %add3A_32 = arith.constant 1 : i32
      %add3A_33 = arith.addi %scan3A_13, %add3A_32 : i32
      %shift_right_arithmetic3A_34 = arith.constant 1 : i32
      %shift_right_arithmetic3A_35 = arith.shrsi %add3A_33, %shift_right_arithmetic3A_34 : i32
      %sub3A_36 = arith.constant 8 : i32
      %sub3A_37 = arith.subi %sub3A_36, %shift_right_arithmetic3A_35 : i32
      %rem3A_38 = arith.constant 8 : i32
      %rem3A_39 = arith.remsi %sub3A_37, %rem3A_38 : i32
      %jit3A_40 = arith.constant 0 : i32
      %select_n3A_41 = arith.select %eq3A_31, %jit3A_40, %rem3A_39 : i32
      %add3A_42 = arith.addi %select_n3A, %select_n3A_41 : i32
      %scan3A_43 = arith.constant 0 : i32
      %scan3A_44 = arith.constant 15 : i32
      %scan3A_45 = arith.addi %scan3A_43, %scan3A_44 : i32
      %scan3A_46 = arith.constant 1 : i32
      scf.for %scan3A_80 = %scan3A_43 to %scan3A_45 step %scan3A_46  : i32 {
        %mul3A_81 = arith.constant 800 : i32
        %mul3A_82 = arith.muli %scan3A_80, %mul3A_81 : i32
        %add3A_83 = arith.addi %mul3A_7, %mul3A_82 : i32
        "tpu.region"() ({
          %run_scoped3A = tpu.sem_alloc : memref<!tpu.dma_semaphore, #tpu.memory_space<semaphore_mem>>
          %dma_start3A = arith.constant 0 : i32
          %dma_start3A_84 = tpu.memref_slice %arg11[%add3A_83, %dma_start3A] : memref<197376x8xf32, #tpu.memory_space<vmem_shared>> -> memref<800x8xf32, #tpu.memory_space<vmem_shared>>
          %dma_start3A_85 = arith.constant 0 : i32
          %dma_start3A_86 = tpu.memref_slice %arg11[%add3A_83, %dma_start3A_85] : memref<197376x8xf32, #tpu.memory_space<vmem_shared>> -> memref<800x8xf32, #tpu.memory_space<vmem_shared>>
          tpu.enqueue_dma source(%arg10 : memref<800x8xf32, #tpu.memory_space<vmem>>) target(%dma_start3A_86 : memref<800x8xf32, #tpu.memory_space<vmem_shared>>) target_semaphore(%run_scoped3A : memref<!tpu.dma_semaphore, #tpu.memory_space<semaphore_mem>>)
          %dma_wait3A = arith.constant 0 : i32
          %dma_wait3A_87 = tpu.memref_slice %arg11[%add3A_83, %dma_wait3A] : memref<197376x8xf32, #tpu.memory_space<vmem_shared>> -> memref<800x8xf32, #tpu.memory_space<vmem_shared>>
          %dma_wait3A_88 = arith.constant 0 : i32
          %dma_wait3A_89 = tpu.memref_slice %arg11[%add3A_83, %dma_wait3A_88] : memref<197376x8xf32, #tpu.memory_space<vmem_shared>> -> memref<800x8xf32, #tpu.memory_space<vmem_shared>>
          tpu.wait_dma2 semaphore(%run_scoped3A : memref<!tpu.dma_semaphore, #tpu.memory_space<semaphore_mem>>) src(%arg10 : memref<800x8xf32, #tpu.memory_space<vmem>>) dst(%dma_wait3A_89 : memref<800x8xf32, #tpu.memory_space<vmem_shared>>)
          tpu.yield
        }) : () -> ()
      }
      %scan3A_47 = arith.constant 15 : i32
      %not3A = arith.constant true
      %not3A_48 = arith.xori %eq3A_5, %not3A : i1
      %convert_element_type3A = arith.extui %not3A_48 : i1 to i32
      %cond3A = arith.constant 0 : i32
      %cond3A_49 = arith.cmpi ne, %convert_element_type3A, %cond3A : i32
      scf.if %cond3A_49 {
        %add3A_80 = arith.constant 12000 : i32
        %add3A_81 = arith.addi %mul3A_7, %add3A_80 : i32
        "tpu.region"() ({
          %run_scoped3A = tpu.sem_alloc : memref<!tpu.dma_semaphore, #tpu.memory_space<semaphore_mem>>
          %dma_start3A = arith.constant 0 : i32
          %dma_start3A_82 = arith.constant 0 : i32
          %dma_start3A_83 = tpu.memref_slice %arg10[%dma_start3A, %dma_start3A_82] : memref<800x8xf32, #tpu.memory_space<vmem>> -> memref<208x8xf32, #tpu.memory_space<vmem>>
          %dma_start3A_84 = arith.constant 0 : i32
          %dma_start3A_85 = tpu.memref_slice %arg11[%add3A_81, %dma_start3A_84] : memref<197376x8xf32, #tpu.memory_space<vmem_shared>> -> memref<208x8xf32, #tpu.memory_space<vmem_shared>>
          %dma_start3A_86 = arith.constant 0 : i32
          %dma_start3A_87 = tpu.memref_slice %arg11[%add3A_81, %dma_start3A_86] : memref<197376x8xf32, #tpu.memory_space<vmem_shared>> -> memref<208x8xf32, #tpu.memory_space<vmem_shared>>
          %dma_start3A_88 = arith.constant 0 : i32
          %dma_start3A_89 = arith.constant 0 : i32
          %dma_start3A_90 = tpu.memref_slice %arg10[%dma_start3A_88, %dma_start3A_89] : memref<800x8xf32, #tpu.memory_space<vmem>> -> memref<208x8xf32, #tpu.memory_space<vmem>>
          tpu.enqueue_dma source(%dma_start3A_90 : memref<208x8xf32, #tpu.memory_space<vmem>>) target(%dma_start3A_87 : memref<208x8xf32, #tpu.memory_space<vmem_shared>>) target_semaphore(%run_scoped3A : memref<!tpu.dma_semaphore, #tpu.memory_space<semaphore_mem>>)
          %dma_wait3A = arith.constant 0 : i32
          %dma_wait3A_91 = arith.constant 0 : i32
          %dma_wait3A_92 = tpu.memref_slice %arg10[%dma_wait3A, %dma_wait3A_91] : memref<800x8xf32, #tpu.memory_space<vmem>> -> memref<208x8xf32, #tpu.memory_space<vmem>>
          %dma_wait3A_93 = arith.constant 0 : i32
          %dma_wait3A_94 = tpu.memref_slice %arg11[%add3A_81, %dma_wait3A_93] : memref<197376x8xf32, #tpu.memory_space<vmem_shared>> -> memref<208x8xf32, #tpu.memory_space<vmem_shared>>
          %dma_wait3A_95 = arith.constant 0 : i32
          %dma_wait3A_96 = tpu.memref_slice %arg11[%add3A_81, %dma_wait3A_95] : memref<197376x8xf32, #tpu.memory_space<vmem_shared>> -> memref<208x8xf32, #tpu.memory_space<vmem_shared>>
          %dma_wait3A_97 = arith.constant 0 : i32
          %dma_wait3A_98 = arith.constant 0 : i32
          %dma_wait3A_99 = tpu.memref_slice %arg10[%dma_wait3A_97, %dma_wait3A_98] : memref<800x8xf32, #tpu.memory_space<vmem>> -> memref<208x8xf32, #tpu.memory_space<vmem>>
          tpu.wait_dma2 semaphore(%run_scoped3A : memref<!tpu.dma_semaphore, #tpu.memory_space<semaphore_mem>>) src(%dma_wait3A_99 : memref<208x8xf32, #tpu.memory_space<vmem>>) dst(%dma_wait3A_96 : memref<208x8xf32, #tpu.memory_space<vmem_shared>>)
          tpu.yield
        }) : () -> ()
      } else {
      }
      %convert_element_type3A_50 = arith.extui %eq3A_5 : i1 to i32
      %cond3A_51 = arith.constant 0 : i32
      %cond3A_52 = arith.cmpi ne, %convert_element_type3A_50, %cond3A_51 : i32
      scf.if %cond3A_52 {
        %add3A_80 = arith.constant 12000 : i32
        %add3A_81 = arith.addi %mul3A_7, %add3A_80 : i32
        "tpu.region"() ({
          %run_scoped3A = tpu.sem_alloc : memref<!tpu.dma_semaphore, #tpu.memory_space<semaphore_mem>>
          %dma_start3A = arith.constant 0 : i32
          %dma_start3A_82 = arith.constant 0 : i32
          %dma_start3A_83 = tpu.memref_slice %arg10[%dma_start3A, %dma_start3A_82] : memref<800x8xf32, #tpu.memory_space<vmem>> -> memref<200x8xf32, #tpu.memory_space<vmem>>
          %dma_start3A_84 = arith.constant 0 : i32
          %dma_start3A_85 = tpu.memref_slice %arg11[%add3A_81, %dma_start3A_84] : memref<197376x8xf32, #tpu.memory_space<vmem_shared>> -> memref<200x8xf32, #tpu.memory_space<vmem_shared>>
          %dma_start3A_86 = arith.constant 0 : i32
          %dma_start3A_87 = tpu.memref_slice %arg11[%add3A_81, %dma_start3A_86] : memref<197376x8xf32, #tpu.memory_space<vmem_shared>> -> memref<200x8xf32, #tpu.memory_space<vmem_shared>>
          %dma_start3A_88 = arith.constant 0 : i32
          %dma_start3A_89 = arith.constant 0 : i32
          %dma_start3A_90 = tpu.memref_slice %arg10[%dma_start3A_88, %dma_start3A_89] : memref<800x8xf32, #tpu.memory_space<vmem>> -> memref<200x8xf32, #tpu.memory_space<vmem>>
          tpu.enqueue_dma source(%dma_start3A_90 : memref<200x8xf32, #tpu.memory_space<vmem>>) target(%dma_start3A_87 : memref<200x8xf32, #tpu.memory_space<vmem_shared>>) target_semaphore(%run_scoped3A : memref<!tpu.dma_semaphore, #tpu.memory_space<semaphore_mem>>)
          %dma_wait3A = arith.constant 0 : i32
          %dma_wait3A_91 = arith.constant 0 : i32
          %dma_wait3A_92 = tpu.memref_slice %arg10[%dma_wait3A, %dma_wait3A_91] : memref<800x8xf32, #tpu.memory_space<vmem>> -> memref<200x8xf32, #tpu.memory_space<vmem>>
          %dma_wait3A_93 = arith.constant 0 : i32
          %dma_wait3A_94 = tpu.memref_slice %arg11[%add3A_81, %dma_wait3A_93] : memref<197376x8xf32, #tpu.memory_space<vmem_shared>> -> memref<200x8xf32, #tpu.memory_space<vmem_shared>>
          %dma_wait3A_95 = arith.constant 0 : i32
          %dma_wait3A_96 = tpu.memref_slice %arg11[%add3A_81, %dma_wait3A_95] : memref<197376x8xf32, #tpu.memory_space<vmem_shared>> -> memref<200x8xf32, #tpu.memory_space<vmem_shared>>
          %dma_wait3A_97 = arith.constant 0 : i32
          %dma_wait3A_98 = arith.constant 0 : i32
          %dma_wait3A_99 = tpu.memref_slice %arg10[%dma_wait3A_97, %dma_wait3A_98] : memref<800x8xf32, #tpu.memory_space<vmem>> -> memref<200x8xf32, #tpu.memory_space<vmem>>
          tpu.wait_dma2 semaphore(%run_scoped3A : memref<!tpu.dma_semaphore, #tpu.memory_space<semaphore_mem>>) src(%dma_wait3A_99 : memref<200x8xf32, #tpu.memory_space<vmem>>) dst(%dma_wait3A_96 : memref<200x8xf32, #tpu.memory_space<vmem_shared>>)
          tpu.yield
        }) : () -> ()
      } else {
      }
      %barrier3A = arith.constant 0 : index
      tpu.barrier barrier_id(%barrier3A)
      %scan3A_53 = arith.constant 0 : i32
      %scan3A_54 = arith.constant 25 : i32
      %scan3A_55 = arith.addi %scan3A_53, %scan3A_54 : i32
      %scan3A_56 = arith.constant 1 : i32
      scf.for %scan3A_80 = %scan3A_53 to %scan3A_55 step %scan3A_56  : i32 {
        %scan3A_81 = arith.constant 0 : i32
        %scan3A_82 = arith.constant 50 : i32
        %scan3A_83 = arith.addi %scan3A_81, %scan3A_82 : i32
        %scan3A_84 = arith.constant 1 : i32
        scf.for %scan3A_90 = %scan3A_81 to %scan3A_83 step %scan3A_84  : i32 {
          %mul3A_91 = arith.constant 800 : i32
          %mul3A_92 = arith.muli %scan3A_80, %mul3A_91 : i32
          %mul3A_93 = arith.constant 16 : i32
          %mul3A_94 = arith.muli %scan3A_90, %mul3A_93 : i32
          %add3A_95 = arith.addi %mul3A_92, %mul3A_94 : i32
          %get3A = arith.index_cast %add3A_95 : i32 to index
          %get3A_96 = tpu.vector_load %arg6[%get3A] {strides = array<i32>} : memref<20000xi32, #tpu.memory_space<vmem>>, vector<16xi32>,
          %get3A_97 = vector.shape_cast %get3A_96 : vector<16xi32> to vector<16xi32>
          %sub3A_98 = vector.broadcast %add3A_22 : i32 to vector<16xi32>
          %sub3A_99 = arith.subi %get3A_97, %sub3A_98 : vector<16xi32>
          %ge3A = arith.constant 0 : i32
          %ge3A_100 = vector.broadcast %ge3A : i32 to vector<16xi32>
          %ge3A_101 = arith.cmpi sge, %sub3A_99, %ge3A_100 : vector<16xi32>
          %lt3A = vector.broadcast %add3A_42 : i32 to vector<16xi32>
          %lt3A_102 = arith.cmpi slt, %sub3A_99, %lt3A : vector<16xi32>
          %and3A_103 = arith.andi %ge3A_101, %lt3A_102 : vector<16xi1>
          %and3A_104 = arith.constant 2047 : i32
          %and3A_105 = vector.broadcast %and3A_104 : i32 to vector<16xi32>
          %and3A_106 = arith.andi %get3A_97, %and3A_105 : vector<16xi32>
          %add3A_107 = arith.constant 195328 : i32
          %add3A_108 = vector.broadcast %add3A_107 : i32 to vector<16xi32>
          %add3A_109 = arith.addi %add3A_108, %and3A_106 : vector<16xi32>
          %select_n3A_110 = arith.select %and3A_103, %sub3A_99, %add3A_109 : vector<16xi1>, vector<16xi32>
          %mul3A_111 = arith.constant 16 : i32
          %mul3A_112 = arith.muli %scan3A_90, %mul3A_111 : i32
          %swap3A = arith.index_cast %mul3A_112 : i32 to index
          %swap3A_113 = tpu.vector_load %arg9[%swap3A] {strides = array<i32>} : memref<800xi32, #tpu.memory_space<vmem>>, vector<16xi32>,
          %swap3A_114 = vector.shape_cast %swap3A_113 : vector<16xi32> to vector<16xi32>
          %swap3A_115 = vector.shape_cast %select_n3A_110 : vector<16xi32> to vector<16xi32>
          tpu.vector_store %arg9[%swap3A], %swap3A_115 {strides = array<i32>} : memref<800xi32, #tpu.memory_space<vmem>>, vector<16xi32>,
        }
        %scan3A_85 = arith.constant 50 : i32
        %mul3A_86 = arith.constant 800 : i32
        %mul3A_87 = arith.muli %scan3A_80, %mul3A_86 : i32
        %add3A_88 = arith.addi %mul3A_0, %mul3A_87 : i32
        %multiple_of3A_89 = tpu.assume_multiple %add3A_88, 8 : i32
        "tpu.region"() ({
          %run_scoped3A = tpu.sem_alloc : memref<!tpu.dma_semaphore, #tpu.memory_space<semaphore_mem>>
          %dma_start3A = arith.constant 0 : i32
          %dma_start3A_90 = tpu.memref_slice %arg3[%multiple_of3A_89, %dma_start3A] : memref<320000x8xf32, #tpu.memory_space<hbm>> -> memref<800x8xf32, #tpu.memory_space<hbm>>
          %dma_start3A_91 = arith.constant 0 : i32
          %dma_start3A_92 = tpu.memref_slice %arg3[%multiple_of3A_89, %dma_start3A_91] : memref<320000x8xf32, #tpu.memory_space<hbm>> -> memref<800x8xf32, #tpu.memory_space<hbm>>
          tpu.enqueue_dma source(%dma_start3A_92 : memref<800x8xf32, #tpu.memory_space<hbm>>) target(%arg10 : memref<800x8xf32, #tpu.memory_space<vmem>>) target_semaphore(%run_scoped3A : memref<!tpu.dma_semaphore, #tpu.memory_space<semaphore_mem>>)
          %dma_wait3A = arith.constant 0 : i32
          %dma_wait3A_93 = tpu.memref_slice %arg3[%multiple_of3A_89, %dma_wait3A] : memref<320000x8xf32, #tpu.memory_space<hbm>> -> memref<800x8xf32, #tpu.memory_space<hbm>>
          %dma_wait3A_94 = arith.constant 0 : i32
          %dma_wait3A_95 = tpu.memref_slice %arg3[%multiple_of3A_89, %dma_wait3A_94] : memref<320000x8xf32, #tpu.memory_space<hbm>> -> memref<800x8xf32, #tpu.memory_space<hbm>>
          tpu.wait_dma2 semaphore(%run_scoped3A : memref<!tpu.dma_semaphore, #tpu.memory_space<semaphore_mem>>) src(%dma_wait3A_95 : memref<800x8xf32, #tpu.memory_space<hbm>>) dst(%arg10 : memref<800x8xf32, #tpu.memory_space<vmem>>)
          tpu.yield
        }) : () -> ()
        "tpu.region"() ({
          %run_scoped3A = tpu.sem_alloc : memref<!tpu.dma_semaphore, #tpu.memory_space<semaphore_mem>>
          %dma_start3A = arith.constant 0 : i32
          %dma_start3A_90 = arith.constant 0 : i32
          %dma_start3A_91 = tpu.memref_slice %arg11[%dma_start3A, %dma_start3A_90] : memref<197376x8xf32, #tpu.memory_space<vmem_shared>> -> memref<197376x8xf32, #tpu.memory_space<vmem_shared>>
          tpu.enqueue_indirect_dma source(%arg10 : memref<800x8xf32, #tpu.memory_space<vmem>>) target(%dma_start3A_91 : memref<197376x8xf32, #tpu.memory_space<vmem_shared>>) offsets(%arg9 : memref<800xi32, #tpu.memory_space<vmem>>) semaphore(%run_scoped3A : memref<!tpu.dma_semaphore, #tpu.memory_space<semaphore_mem>>) {add = true}
          %dma_wait3A = arith.constant 0 : i32
          %dma_wait3A_92 = arith.constant 0 : i32
          %dma_wait3A_93 = tpu.memref_slice %arg11[%dma_wait3A, %dma_wait3A_92] : memref<197376x8xf32, #tpu.memory_space<vmem_shared>> -> memref<197376x8xf32, #tpu.memory_space<vmem_shared>>
          tpu.wait_indirect_dma semaphore(%run_scoped3A : memref<!tpu.dma_semaphore, #tpu.memory_space<semaphore_mem>>) src(%arg10 : memref<800x8xf32, #tpu.memory_space<vmem>>) dst(%dma_wait3A_93 : memref<197376x8xf32, #tpu.memory_space<vmem_shared>>)
          tpu.yield
        }) : () -> ()
      }
      %scan3A_57 = arith.constant 25 : i32
      %barrier3A_58 = arith.constant 0 : index
      tpu.barrier barrier_id(%barrier3A_58)
      %add3A_59 = arith.addi %add3A_22, %rem3A_29 : i32
      %mul3A_60 = arith.constant 12208 : i32
      %mul3A_61 = arith.muli %arg1, %mul3A_60 : i32
      %add3A_62 = arith.addi %add3A_59, %mul3A_61 : i32
      %multiple_of3A = tpu.assume_multiple %add3A_62, 8 : i32
      %not3A_63 = arith.constant true
      %not3A_64 = arith.xori %eq3A_5, %not3A_63 : i1
      %convert_element_type3A_65 = arith.extui %not3A_64 : i1 to i32
      %cond3A_66 = arith.constant 0 : i32
      %cond3A_67 = arith.cmpi ne, %convert_element_type3A_65, %cond3A_66 : i32
      scf.if %cond3A_67 {
        %mul3A_80 = arith.constant 12208 : i32
        %mul3A_81 = arith.muli %arg1, %mul3A_80 : i32
        %add3A_82 = arith.addi %rem3A_29, %mul3A_81 : i32
        %dma_start3A = arith.constant 0 : i32
        %dma_start3A_83 = tpu.memref_slice %arg5[%multiple_of3A, %dma_start3A] : memref<6250000x8xf32, #tpu.memory_space<hbm>> -> memref<12208x8xf32, #tpu.memory_space<hbm>>
        %dma_start3A_84 = arith.constant 0 : i32
        %dma_start3A_85 = tpu.memref_slice %arg11[%add3A_82, %dma_start3A_84] : memref<197376x8xf32, #tpu.memory_space<vmem_shared>> -> memref<12208x8xf32, #tpu.memory_space<vmem_shared>>
        tpu.enqueue_dma source(%dma_start3A_85 : memref<12208x8xf32, #tpu.memory_space<vmem_shared>>) target(%dma_start3A_83 : memref<12208x8xf32, #tpu.memory_space<hbm>>) target_semaphore(%arg12 : memref<!tpu.dma_semaphore, #tpu.memory_space<semaphore_mem>>)
        %dma_wait3A = arith.constant 0 : i32
        %dma_wait3A_86 = tpu.memref_slice %arg5[%multiple_of3A, %dma_wait3A] : memref<6250000x8xf32, #tpu.memory_space<hbm>> -> memref<12208x8xf32, #tpu.memory_space<hbm>>
        %dma_wait3A_87 = arith.constant 0 : i32
        %dma_wait3A_88 = tpu.memref_slice %arg11[%add3A_82, %dma_wait3A_87] : memref<197376x8xf32, #tpu.memory_space<vmem_shared>> -> memref<12208x8xf32, #tpu.memory_space<vmem_shared>>
        tpu.wait_dma2 semaphore(%arg12 : memref<!tpu.dma_semaphore, #tpu.memory_space<semaphore_mem>>) src(%dma_wait3A_88 : memref<12208x8xf32, #tpu.memory_space<vmem_shared>>) dst(%dma_wait3A_86 : memref<12208x8xf32, #tpu.memory_space<hbm>>)
      } else {
      }
      %eq3A_68 = arith.constant 1 : i32
      %eq3A_69 = arith.cmpi eq, %scan3A_13, %eq3A_68 : i32
      %and3A_70 = arith.andi %eq3A_5, %eq3A_69 : i1
      %convert_element_type3A_71 = arith.extui %and3A_70 : i1 to i32
      %cond3A_72 = arith.constant 0 : i32
      %cond3A_73 = arith.cmpi ne, %convert_element_type3A_71, %cond3A_72 : i32
      scf.if %cond3A_73 {
        %add3A_80 = arith.constant 183120 : i32
        %add3A_81 = arith.addi %rem3A_29, %add3A_80 : i32
        %dma_start3A = arith.constant 0 : i32
        %dma_start3A_82 = tpu.memref_slice %arg5[%multiple_of3A, %dma_start3A] : memref<6250000x8xf32, #tpu.memory_space<hbm>> -> memref<12200x8xf32, #tpu.memory_space<hbm>>
        %dma_start3A_83 = arith.constant 0 : i32
        %dma_start3A_84 = tpu.memref_slice %arg11[%add3A_81, %dma_start3A_83] : memref<197376x8xf32, #tpu.memory_space<vmem_shared>> -> memref<12200x8xf32, #tpu.memory_space<vmem_shared>>
        tpu.enqueue_dma source(%dma_start3A_84 : memref<12200x8xf32, #tpu.memory_space<vmem_shared>>) target(%dma_start3A_82 : memref<12200x8xf32, #tpu.memory_space<hbm>>) target_semaphore(%arg12 : memref<!tpu.dma_semaphore, #tpu.memory_space<semaphore_mem>>)
        %dma_wait3A = arith.constant 0 : i32
        %dma_wait3A_85 = tpu.memref_slice %arg5[%multiple_of3A, %dma_wait3A] : memref<6250000x8xf32, #tpu.memory_space<hbm>> -> memref<12200x8xf32, #tpu.memory_space<hbm>>
        %dma_wait3A_86 = arith.constant 0 : i32
        %dma_wait3A_87 = tpu.memref_slice %arg11[%add3A_81, %dma_wait3A_86] : memref<197376x8xf32, #tpu.memory_space<vmem_shared>> -> memref<12200x8xf32, #tpu.memory_space<vmem_shared>>
        tpu.wait_dma2 semaphore(%arg12 : memref<!tpu.dma_semaphore, #tpu.memory_space<semaphore_mem>>) src(%dma_wait3A_87 : memref<12200x8xf32, #tpu.memory_space<vmem_shared>>) dst(%dma_wait3A_85 : memref<12200x8xf32, #tpu.memory_space<hbm>>)
      } else {
      }
      %ne3A = arith.constant 1 : i32
      %ne3A_74 = arith.cmpi ne, %scan3A_13, %ne3A : i32
      %and3A_75 = arith.andi %eq3A_5, %ne3A_74 : i1
      %convert_element_type3A_76 = arith.extui %and3A_75 : i1 to i32
      %cond3A_77 = arith.constant 0 : i32
      %cond3A_78 = arith.cmpi ne, %convert_element_type3A_76, %cond3A_77 : i32
      scf.if %cond3A_78 {
        %add3A_80 = arith.constant 183120 : i32
        %add3A_81 = arith.addi %rem3A_29, %add3A_80 : i32
        %dma_start3A = arith.constant 0 : i32
        %dma_start3A_82 = tpu.memref_slice %arg5[%multiple_of3A, %dma_start3A] : memref<6250000x8xf32, #tpu.memory_space<hbm>> -> memref<12192x8xf32, #tpu.memory_space<hbm>>
        %dma_start3A_83 = arith.constant 0 : i32
        %dma_start3A_84 = tpu.memref_slice %arg11[%add3A_81, %dma_start3A_83] : memref<197376x8xf32, #tpu.memory_space<vmem_shared>> -> memref<12192x8xf32, #tpu.memory_space<vmem_shared>>
        tpu.enqueue_dma source(%dma_start3A_84 : memref<12192x8xf32, #tpu.memory_space<vmem_shared>>) target(%dma_start3A_82 : memref<12192x8xf32, #tpu.memory_space<hbm>>) target_semaphore(%arg12 : memref<!tpu.dma_semaphore, #tpu.memory_space<semaphore_mem>>)
        %dma_wait3A = arith.constant 0 : i32
        %dma_wait3A_85 = tpu.memref_slice %arg5[%multiple_of3A, %dma_wait3A] : memref<6250000x8xf32, #tpu.memory_space<hbm>> -> memref<12192x8xf32, #tpu.memory_space<hbm>>
        %dma_wait3A_86 = arith.constant 0 : i32
        %dma_wait3A_87 = tpu.memref_slice %arg11[%add3A_81, %dma_wait3A_86] : memref<197376x8xf32, #tpu.memory_space<vmem_shared>> -> memref<12192x8xf32, #tpu.memory_space<vmem_shared>>
        tpu.wait_dma2 semaphore(%arg12 : memref<!tpu.dma_semaphore, #tpu.memory_space<semaphore_mem>>) src(%dma_wait3A_87 : memref<12192x8xf32, #tpu.memory_space<vmem_shared>>) dst(%dma_wait3A_85 : memref<12192x8xf32, #tpu.memory_space<hbm>>)
      } else {
      }
      %barrier3A_79 = arith.constant 0 : index
      tpu.barrier barrier_id(%barrier3A_79)
      "tpu.region"() ({
        %run_scoped3A = tpu.sem_alloc : memref<!tpu.dma_semaphore, #tpu.memory_space<semaphore_mem>>
        tpu.enqueue_dma source(%arg4 : memref<800x8xf32, #tpu.memory_space<hbm>>) target(%arg10 : memref<800x8xf32, #tpu.memory_space<vmem>>) target_semaphore(%run_scoped3A : memref<!tpu.dma_semaphore, #tpu.memory_space<semaphore_mem>>)
        tpu.wait_dma2 semaphore(%run_scoped3A : memref<!tpu.dma_semaphore, #tpu.memory_space<semaphore_mem>>) src(%arg4 : memref<800x8xf32, #tpu.memory_space<hbm>>) dst(%arg10 : memref<800x8xf32, #tpu.memory_space<vmem>>)
        tpu.yield
      }) : () -> ()
    }
    %scan3A_12 = arith.constant 16 : i32
    return
  }
}

</mosaic_0001>

<sc_bundles>
// kernel: kernel.3.cloned.1.call-start
scs
__scs_entry_jumppad:
0x0: {  	(pc) =	sbr.rel $0x88, $3  }
0x1: {  	(tag) =	ssettag $0x0;
	lr =	simm.s32 $0x1  }
0x2: {  	[smem:$0x3F9E] =	sst lr;
	_ =	strace $0xD0000000  }
0x3: {  	_ = 	snop  }
0x4: {  	_ = 	snop  }
0x5: {  	_ = 	snop  }
0x6: {  	_ = 	snop  }
0x7: {  	_ = 	snop  }
__scs_overlays_trampoline_lowered:
0x8: {  	[smem:$0x3FAD] =	sst s0  }
0x9: {  	[smem:$0x3FAE] =	sst s1  }
0xa: {  	[smem:$0x3FAF] =	sst s2  }
0xb: {  	[smem:$0x3FB0] =	sst s3  }
0xc: {  	[smem:$0x3FB1] =	sst s4  }
0xd: {  	[smem:$0x3FB2] =	sst s5  }
0xe: {  	[smem:$0x3FB3] =	sst s6  }
0xf: {  	[smem:$0x3FB4] =	sst s7  }
0x10: {  	[smem:$0x3FB5] =	sst s8  }
0x11: {  	[smem:$0x3FB6] =	sst s9;
	s0 =	simm.s32 @!p0 $0x0  }
0x12: {  	s1 =	sld [smem:$0x3F9C];
	s0 =	simm.s32 @p0 $0x1  }
0x13: {  	[smem:$0x3FB7] =	sst s0;
	s0 =	simm.s32 @!p1 $0x0  }
0x14: {  	s2 =	sld [smem:$0x3F9B];
	s0 =	simm.s32 @p1 $0x1  }
0x15: {  	[smem:$0x3FB8] =	sst s0;
	s0 =	simm.s32 @!p2 $0x0  }
0x16: {  	s3 =	sld [smem:$0x3FDB];
	s0 =	simm.s32 @p2 $0x1  }
0x17: {  	s4 =	simm.s32 $0x1BF5;
	[smem:$0x3FBA] =	sst s0  }
0x18: {  	s0 =	sld [smem:$0x3F9D];
	_ =	swait.ge [sflag:s4], $0x0  }
0x19: {  	s7 =	sld [smem:$0x3F9E]  }
0x1a: {  	s8 =	sadd.s32 $0xFFFFE003, lr  }
0x1b: {  	s9 =	sadd.s32 $0xFFFFFEF7, lr;
	s5 =	simm.s32 $0xFFFFFFFF;
	p2 =	slt.u32 s8, $0xFFFFF086  }
0x1c: {  	p1 =	slt.u32 s9, $0xF7A;
	s5 =	simm.s32 @!p2 $0x0  }
0x1d: {  	s5 =	simm.s32 @p1 $0x1;
	p0 =	seq.s32 s7, s2  }
0x1e: {  	s7 =	smul.u32 @!p0 $0xF7A, s2;
	p2 =	seq.s32 @!p0 s5, $0x0  }
0x1f: {  	s9 =	smul.u32 $0xF7A, s1;
	s8 =	simm.s32 @!p0 $0x1BF5;
	p2 =	por !p2, p0  }
0x20: {  	[sflag:s8] =	ssyncset.s32 @!p0 $0xFFFFF086;
	s6 =	sadd.s32 @!p0 s3, s7;
	s7 =	simm.s32 @!p0 $0x108  }
0x21: {  	s3 =	sadd.s32 s3, s9;
	s6 =	sadd.s32 @!p0 $0x88, s6;
	s7 =	simm.s32 @p2 $0x1082  }
0x22: {  	[simem:s7], [sflag:s8] =	dma.local @!p0 [hbm:s6], $0xF7A  }
0x23: {  	s9 =	sor.u32 $0xD0000000, s2;
	s6 =	simm.s32 $0x108;
	_ =	swait.ge @!p0 [sflag:s8], $0x0  }
0x24: {  	s3 =	sadd.s32 $0x88, s3;
	s6 =	simm.s32 @!p1 $0x1082;
	[sflag:s4] =	ssyncset.s32 $0xFFFFF086  }
0x25: {  	[simem:s6], [sflag:s4] =	dma.local [hbm:s3], $0xF7A  }
0x26: {  	[smem:$0x3F9E] =	sst s1;
	(tag) =	ssettag s2;
	_ =	strace s9  }
0x27: {  	s1 =	sld [smem:$0x3FAE]  }
0x28: {  	s2 =	sld [smem:$0x3FAF]  }
0x29: {  	s4 =	sld [smem:$0x3FB1]  }
0x2a: {  	p0 =	seq.s32 s5, $0x0;
	s5 =	sld [smem:$0x3FB2]  }
0x2b: {  	s6 =	sld [smem:$0x3FB3]  }
0x2c: {  	s7 =	sld [smem:$0x3FB4]  }
0x2d: {  	s3 =	simm.s32 $0x108;
	s8 =	sld [smem:$0x3FB5]  }
0x2e: {  	s3 =	simm.s32 @!p0 $0x1082;
	s9 =	sld [smem:$0x3FB6]  }
0x2f: {  	lr =	sadd.s32 s0, s3;
	s0 =	sld [smem:$0x3FAD]  }
0x30: {  	s3 =	sld [smem:$0x3FB0]  }
0x31: {  	[smem:$0x3FB9] =	sst s10  }
0x32: {  	s10 =	sld [smem:$0x3FB7];
	_ =	sdelay $0x3  }
0x33: {  	p0 =	seq.s32 s10, $0x1;
	s10 =	sld [smem:$0x3FB9];
	_ =	sdelay $0x3  }
0x34: {  	[smem:$0x3FB9] =	sst s10  }
0x35: {  	s10 =	sld [smem:$0x3FB8];
	_ =	sdelay $0x3  }
0x36: {  	p1 =	seq.s32 s10, $0x1;
	s10 =	sld [smem:$0x3FB9];
	_ =	sdelay $0x3  }
0x37: {  	[smem:$0x3FB9] =	sst s10  }
0x38: {  	s10 =	sld [smem:$0x3FBA]  }
0x39: {  	_ = 	snop;
	(pc) =	sbr.ind lr, $3  }
0x3a: {  	_ = 	snop  }
0x3b: {  	_ = 	snop  }
0x3c: {  	p2 =	seq.s32 s10, $0x1;
	s10 =	sld [smem:$0x3FB9]  }
0x3d: {  	_ =	shalt  }
0x3e: {  	_ =	shalt  }
0x3f: {  	_ =	shalt  }
0x40: {  	_ =	shalt  }
0x41: {  	_ =	shalt  }
0x42: {  	_ =	shalt  }
0x43: {  	_ =	shalt  }
0x44: {  	_ =	shalt  }
0x45: {  	_ =	shalt  }
0x46: {  	_ =	shalt  }
0x47: {  	_ =	shalt  }
0x48: {  	_ =	shalt  }
0x49: {  	_ =	shalt  }
0x4a: {  	_ =	shalt  }
0x4b: {  	_ =	shalt  }
0x4c: {  	_ =	shalt  }
0x4d: {  	_ =	shalt  }
0x4e: {  	_ =	shalt  }
0x4f: {  	_ =	shalt  }
0x50: {  	_ =	shalt  }
0x51: {  	_ =	shalt  }
0x52: {  	_ =	shalt  }
0x53: {  	_ =	shalt  }
0x54: {  	_ =	shalt  }
0x55: {  	_ =	shalt  }
0x56: {  	_ =	shalt  }
0x57: {  	_ =	shalt  }
0x58: {  	_ =	shalt  }
0x59: {  	_ =	shalt  }
0x5a: {  	_ =	shalt  }
0x5b: {  	_ =	shalt  }
0x5c: {  	_ =	shalt  }
0x5d: {  	_ =	shalt  }
0x5e: {  	_ =	shalt  }
0x5f: {  	_ =	shalt  }
0x60: {  	_ =	shalt  }
0x61: {  	_ =	shalt  }
0x62: {  	_ =	shalt  }
0x63: {  	_ =	shalt  }
0x64: {  	_ =	shalt  }
0x65: {  	_ =	shalt  }
0x66: {  	_ =	shalt  }
0x67: {  	_ =	shalt  }
0x68: {  	_ =	shalt  }
0x69: {  	_ =	shalt  }
0x6a: {  	_ =	shalt  }
0x6b: {  	_ =	shalt  }
0x6c: {  	_ =	shalt  }
0x6d: {  	_ =	shalt  }
0x6e: {  	_ =	shalt  }
0x6f: {  	_ =	shalt  }
0x70: {  	_ =	shalt  }
0x71: {  	_ =	shalt  }
0x72: {  	_ =	shalt  }
0x73: {  	_ =	shalt  }
0x74: {  	_ =	shalt  }
0x75: {  	_ =	shalt  }
0x76: {  	_ =	shalt  }
0x77: {  	_ =	shalt  }
0x78: {  	_ =	shalt  }
0x79: {  	_ =	shalt  }
0x7a: {  	_ =	shalt  }
0x7b: {  	_ =	shalt  }
0x7c: {  	_ =	shalt  }
0x7d: {  	_ =	shalt  }
0x7e: {  	_ =	shalt  }
0x7f: {  	_ =	shalt  }
0x80: {  	_ =	shalt  }
0x81: {  	_ =	shalt  }
0x82: {  	_ =	shalt  }
0x83: {  	_ =	shalt  }
0x84: {  	_ =	shalt  }
0x85: {  	_ =	shalt  }
0x86: {  	_ =	shalt  }
0x87: {  	_ =	shalt  }
.Lfunc_end0:
.L_simem_size_0:
called_computation.2_lowered:
.L_overlay_start_0:
0x88: {  	s2 =	sld [smem:$0x3FD9]  }
0x89: {  	s3 =	sld [smem:$0x3FFE];
	_ =	sdelay $0x1  }
0x8a: {  	s1 =	srdreg.scid  }
0x8b: {  	s0 =	sand.u32 $0x1, s1  }
0x8c: {  	s14 =	sshll.u32 s0, $0xA;
	s2 =	sadd.s32 s3, s2  }
0x8d: {  	s2 =	sadd.s32 s2, s14  }
0x8e: {  	[smem:$0x3FC5] =	sst s2  }
0x8f: {  	_ = 	snop  }
0x90: {  	s2 =	sld [smem:$0x3FD0];
	_ =	sdelay $0x2  }
0x91: {  	s15 =	simm.s32 $0xA;
	s4 =	simm.s32 $0x10  }
0x92: {  	[smem:s4], [sflag:s15] =	dma.local [hbm:s2], $0x1  }
0x93: {  	_ =	swait.eq [sflag:s15], $0x1  }
0x94: {  	[sflag:s15] =	ssyncset.done $0x0  }
0x95: {  	s16 =	sld [smem:$0x10];
	[sflag:s15] =	ssyncadd.s32 $0xFFFFFFFF  }
0x96: {  	s17 =	sld [smem:$0x11];
	(tm) =	ssettm $0x1  }
0x97: {  	s18 =	sld [smem:$0x3FFB];
	_ =	sdelay $0x3  }
0x98: {  	_ =	strace s18  }
0x99: {  	s4 =	sld [smem:$0x3FFC];
	_ =	sdelay $0x3  }
0x9a: {  	_ =	strace s4  }
0x9b: {  	s4 =	sld [smem:$0x3FFD];
	_ =	sdelay $0x3  }
0x9c: {  	_ =	strace s4  }
0x9d: {  	_ =	strace $0x8FFFFFFF  }
0x9e: {  	s19 =	sld [smem:$0x3FDB];
	_ =	sdelay $0x1  }
0x9f: {  	s5 =	simm.s32 $_scs_section_size  }
0xa0: {  	s6 =	simm.s32 $_size__tile_overlayer_lowered;
	s7 =	simm.s32 $_tile_overlayer_lowered  }
0xa1: {  	s22 =	simm.s32 $0x1BFF;
	s21 =	sshll.u32 s7, $0x1;
	s4 =	sadd.s32 s5, s19  }
0xa2: {  	s8 =	simm.s32 $0x0;
	s20 =	sshll.u32 s6, $0x1;
	s6 =	sadd.s32 s21, s4  }
0xa3: {  	[timem:s8], [sflag:s22] =	dma.local [hbm:s6], s20  }
0xa4: {  	_ =	swait.ge [sflag:s22], s20  }
0xa5: {  	s5 =	ssub.s32 $0x0, s20;
	[sflag:s22] =	ssyncset.done $0x0  }
0xa6: {  	[sflag:s22] =	ssyncadd.s32 s5;
	_ =	sdelay $0x1  }
0xa7: {  	s23 =	simm.s32 $0x1B8B  }
0xa8: {  	_ =	swait.ge [sflag:s23], $0x1  }
0xa9: {  	[sflag:s23] =	ssyncset.done $0x0  }
0xaa: {  	s25 =	simm.s32 $0x1B8E;
	s24 =	sld [smem:$0x3FFE];
	[sflag:s23] =	ssyncadd.s32 $0xFFFFFFFF  }
0xab: {  	s26 =	simm.s32 $execute0_lowered;
	[smem:$0x3FD2] =	sst s25  }
0xac: {  	s6 =	sshll.u32 s26, $0x1;
	_ =	strace $0x80000046;
	[dreg:$0x1] =	wrdreg $0xFFFFFFFF  }
0xad: {  	s28 =	simm.s32 $_size_execute0_lowered;
	s4 =	sadd.s32 s4, s6;
	[dreg:$0x0] =	wrdreg $0x0  }
0xae: {  	s6 =	sshll.u32 s28, $0x1;
	[dreg:$0x2] =	wrdreg s4  }
0xaf: {  	[dreg:$0x3] =	wrdreg s6  }
0xb0: {  	[dreg:$0x4] =	wrdreg $0xC0  }
0xb1: {  	_ =	task [dreg:s8], $0x5FFFF  }
0xb2: {  	[dreg:$0x1] =	wrdreg $0xFFFFFFFF  }
0xb3: {  	[dreg:$0x0] =	wrdreg $0x60  }
0xb4: {  	[dreg:$0x2] =	wrdreg s16  }
0xb5: {  	[dreg:$0x3] =	wrdreg s17  }
0xb6: {  	[dreg:$0x4] =	wrdreg s24  }
0xb7: {  	[dreg:$0x5] =	wrdreg $0x79E00  }
0xb8: {  	[dreg:$0x6] =	wrdreg $0x9  }
0xb9: {  	_ =	task.clear_ibuf [dreg:s8], $0x7FFFF;
	_ =	strace $0x90000046  }
0xba: {  	s29 =	simm.s32 $0x9;
	_ =	strace $0x80000048  }
0xbb: {  	_ =	swait.ge [sflag:s29], $0x1  }
0xbc: {  	[sflag:s29] =	ssyncadd.s32 $0xFFFFFFFF  }
0xbd: {  	_ =	strace $0x90000048  }
0xbe: {  	_ =	sfence  }
0xbf: {  	s30 =	sld [smem:$0x0];
	_ =	sdelay $0x2  }
0xc0: {  	s31 =	sshll.u32 s1, $0xD;
	s1 =	sshrl.u32 s1, $0x2  }
0xc1: {  	s3 =	sand.u32 $0x4000, s31;
	s1 =	sadd.s32 s1, s30  }
0xc2: {  	s0 =	sor.u32 s3, s0;
	s1 =	sshll.u32 s1, $0x11  }
0xc3: {  	s0 =	sor.u32 s1, s0  }
0xc4: {  	s0 =	sadd.s32 $0x8F2B, s0  }
0xc5: {  	[sflag:s0] =	ssyncadd.remote.s32 $0x1  }
0xc6: {  	_ =	sfence.sel $0xFFFF  }
0xc7: {  	[dreg:$0x0] =	wrdreg $0xFFFFFFFF;
	(pc) =	sbr.abs _section_cstart, $3  }
0xc8: {  	[dreg:$0x1] =	wrdreg $0xFFFFFFFF  }
0xc9: {  	_ =	task.clear_ibuf [dreg:s8], $0x2FFFF;
	_ =	strace $0x9FFFFFFF  }
0xca: {  	(tm) =	ssettm $0x7FFFFFFF  }
0xcb: {  	_ =	shalt  }
tec
execute0_lowered:
.L_overlay_start_1:
0x0: {  	(tag) =	ssettag $0x1  }
0x1: {  	s0 =	rddreg [dreg:$0x1]  }
0x2: {  	s1 =	rddreg [dreg:$0x2]  }
0x3: {  	s2 =	rddreg [dreg:$0x3];
	s4 =	simm.s32 $0x0  }
0x4: {  	s3 =	srdreg.scid;
	[smem:$0x7FF] =	sst s4;
	s16 =	sadd.s32 $0x1000, s1  }
0x5: {  	s17 =	sadd.s32 $0x1400, s1;
	_ =	strace $0x80000047;
	[dreg:$0x7] =	wrdreg s16  }
0x6: {  	s15 =	stileid.u32;
	s22 =	sadd.s32 $0x17D180, s2;
	[dreg:$0x8] =	wrdreg s17  }
0x7: {  	s7 =	smul.u32 $0x4E20, s15;
	s24 =	sadd.s32 $0x165A80, s2;
	[dreg:$0xe] =	wrdreg s22  }
0x8: {  	s3 =	sand.u32 $0x1, s3;
	s18 =	smul.u32 $0x2FB0, s15;
	[dreg:$0x10] =	wrdreg s24  }
0x9: {  	s6 =	smul.u32 $0x5F600, s15;
	s5 =	ssub.s32 $0x2, s3;
	[dreg:$0x9] =	wrdreg s7  }
0xa: {  	s19 =	sshll.u32 s3, $0x3;
	s31 =	sshrl.u32 s5, $0x1;
	[dreg:$0xa] =	wrdreg s18  }
0xb: {  	s6 =	sshrl.u32 s6, $0x2;
	s23 =	sadd.s32 s0, s7;
	[dreg:$0xb] =	wrdreg s19  }
0xc: {  	s1 =	ssub.s32 s5, s31;
	s20 =	sadd.s32 s6, s2;
	[dreg:$0xf] =	wrdreg s23  }
0xd: {  	s7 =	smax.u32 s1, $0x1;
	[dreg:$0xc] =	wrdreg s20  }
0xe: {  	s8 =	sadd.s32 $0xAF00, s20;
	[dreg:$0x11] =	wrdreg s7  }
0xf: {  	s9 =	sadd.s32 $0xC800, s20;
	[dreg:$0x18] =	wrdreg s8  }
0x10: {  	s10 =	sadd.s32 $0xE100, s20;
	[dreg:$0x19] =	wrdreg s9  }
0x11: {  	s11 =	sadd.s32 $0xFA00, s20;
	[dreg:$0x1a] =	wrdreg s10  }
0x12: {  	s12 =	sadd.s32 $0x11300, s20;
	[dreg:$0x1b] =	wrdreg s11  }
0x13: {  	s13 =	sadd.s32 $0x12C00, s20;
	[dreg:$0x1c] =	wrdreg s12  }
0x14: {  	s14 =	sadd.s32 $0x14500, s20;
	[dreg:$0x1d] =	wrdreg s13  }
0x15: {  	p0 =	seq.s32 s15, $0xF;
	s15 =	sadd.s32 $0x15E00, s20;
	[dreg:$0x1e] =	wrdreg s14  }
0x16: {  	s21 =	sadd.s32 $0x17700, s20;
	[dreg:$0x1f] =	wrdreg s15  }
0x17: {  	v0 =	vimm.s32 $0xECA86420;
	vm0 =	vcmask $0xB08;
	vm1 =	vcmask $0x1310;
	s25 =	sadd.s32 $0x1900, s20;
	[dreg:$0xd] =	wrdreg s21  }
0x18: {  	vm2 =	vcmask $0x1B18;
	vm3 =	vcmask $0x300;
	vm4 =	vcmask $0x2320;
	s26 =	sadd.s32 $0x3200, s20;
	[dreg:$0x12] =	wrdreg s25  }
0x19: {  	vm5 =	vcmask $0x2B28;
	vm6 =	vcmask $0x3330;
	vm7 =	vcmask $0x3B38;
	s28 =	sadd.s32 $0x4B00, s20;
	[dreg:$0x13] =	wrdreg s26  }
0x1a: {  	v1 =	vlaneseq.u32;
	vm8 =	vmmov $0xff;
	vm9 =	vcmask $0x704;
	s29 =	sadd.s32 $0x6400, s20;
	[dreg:$0x14] =	wrdreg s28  }
0x1b: {  	vm10 =	vcmask $0xF0C;
	vm11 =	vcmask $0x1714;
	v0 =	vunpack.c.l.s4.s8 v0;
	s30 =	sadd.s32 $0x7D00, s20;
	[dreg:$0x15] =	wrdreg s29  }
0x1c: {  	vm12 =	vcmask $0x1F1C;
	vm13 =	vcmask $0x2724;
	vm14 =	vcmask $0x2F2C;
	s31 =	sadd.s32 $0x9600, s20;
	[dreg:$0x16] =	wrdreg s30  }
0x1d: {  	vm15 =	vcmask $0x3734;
	v1 =	vmul.u32 $0x2, v1;
	s4 =	simm.s32 $0x2;
	v0 =	vunpack.c.0.s8.s32 v0;
	s1 =	simm.s32 $0x0;
	[dreg:$0x17] =	wrdreg s31  }
.LBB2_1:
0x1e: {  	[smem:$0x7FD] =	sst s1;
	s1 =	simm.s32 $0x0;
	s0 =	simm.s32 $0x0  }
.LBB2_2:
0x1f: {  	s5 =	smul.u32 $0x7D0, s0  }
0x20: {  	s22 =	rddreg [dreg:$0x9]  }
0x21: {  	[smem:$0x7FB] =	sst s0;
	s5 =	sadd.s32 s22, s5  }
0x22: {  	s23 =	rddreg [dreg:$0x0];
	s5 =	sshrl.u32 s5, $0x3  }
0x23: {  	s6 =	simm.s32 $0x0;
	s24 =	simm.s32 $0x4E20;
	s5 =	sadd.s32 s23, s5  }
0x24: {  	[tilespmem:s24], [sflag:$0x2] =	stream.linear.gather [hbm4b:s5+s6], $0x7D0, $0x38;
	[tilespmem:$0x1FB60] =	vst v63  }
0x25: {  	_ =	swait.ge [sflag:s4], $0x7D0  }
0x26: {  	[sflag:s4] =	ssyncset.done $0x0  }
0x27: {  	s25 =	simm.s32 $0x55F0;
	s5 =	sadd.s32 $0x9C40, s5;
	[sflag:s4] =	ssyncadd.s32 $0xFFFFF830  }
0x28: {  	[tilespmem:s25], [sflag:$0x2] =	stream.linear.gather [hbm4b:s5+s6], $0x7D0, $0x38;
	[tilespmem:$0x1FB60] =	vst v63  }
0x29: {  	_ =	swait.ge [sflag:s4], $0x7D0  }
0x2a: {  	[sflag:s4] =	ssyncset.done $0x0  }
0x2b: {  	s2 =	simm.s32 $0x0;
	[sflag:s4] =	ssyncadd.s32 $0xFFFFF830  }
0x2c: {  	v2 =	vld [tilespmem:s2+$0x55F0];
	_ =	sdelay $0x4  }
0x2d: {  	(v2sf) =	vpush v2, $0x0  }
0x2e: {  	(v2sf) =	vpush v2, $0x7;
	_ =	sdelay $0x2  }
0x2f: {  	(v2sf) =	vpush v2, $0x1  }
0x30: {  	(v2sf) =	vpush v2, $0x2  }
0x31: {  	(v2sf) =	vpush v2, $0x5;
	_ =	sdelay $0x3  }
0x32: {  	(v2sf) =	vpush v2, $0x3;
	_ =	sdelay $0x1  }
0x33: {  	(v2sf) =	vpush v2, $0x4  }
0x34: {  	(v2sf) =	vpush v2, $0xC  }
0x35: {  	(v2sf) =	vpush v2, $0xF  }
0x36: {  	s31 =	spop (v2sf)  }
0x37: {  	s0 =	spop (v2sf);
	s7 =	smulhi.u32 $0x68DB8BAD, s31  }
0x38: {  	(v2sf) =	vpush v2, $0x8;
	s5 =	sshra.s32 s31, $0x1F;
	s6 =	smulhi.u32 $0x68DB8BAD, s0  }
0x39: {  	s10 =	sshra.s32 s0, $0x1F;
	s5 =	smul.u32 $0x68DB8BAD, s5  }
0x3a: {  	s8 =	spop (v2sf);
	s10 =	smul.u32 $0x68DB8BAD, s10  }
0x3b: {  	(v2sf) =	vpush v2, $0xD;
	s12 =	spop (v2sf);
	s2 =	sshra.s32 s8, $0x1F;
	s8 =	smulhi.u32 $0x68DB8BAD, s8  }
0x3c: {  	(v2sf) =	vpush v2, $0x9;
	s11 =	spop (v2sf);
	s19 =	smulhi.u32 $0x68DB8BAD, s12  }
0x3d: {  	s26 =	simm.s32 $0x0;
	s17 =	sshra.s32 s12, $0x1F;
	s9 =	smulhi.u32 $0x68DB8BAD, s11  }
0x3e: {  	[dreg:$0x5] =	wrdreg s26;
	s15 =	sshra.s32 s11, $0x1F;
	s24 =	smul.u32 $0x68DB8BAD, s17  }
0x3f: {  	[smem:$0x7FC] =	sst s1;
	(v2sf) =	vpush v2, $0xE;
	s16 =	smul.u32 $0x68DB8BAD, s15  }
0x40: {  	s7 =	sadd.s32 s5, s7;
	s18 =	spop (v2sf);
	s15 =	smul.u32 $0x68DB8BAD, s2  }
0x41: {  	(v2sf) =	vpush v2, $0xA;
	s11 =	simm.s32 $0x40;
	s20 =	sshra.s32 s18, $0x1F;
	s18 =	smulhi.u32 $0x68DB8BAD, s18  }
0x42: {  	(v2sf) =	vpush v2, $0xB;
	s12 =	sadd.s32 s10, s6;
	s21 =	spop (v2sf);
	s3 =	smul.u32 $0x68DB8BAD, s20  }
0x43: {  	s22 =	sshra.s32 s21, $0x1F;
	s23 =	spop (v2sf);
	s21 =	smulhi.u32 $0x68DB8BAD, s21  }
0x44: {  	(v2sf) =	vpush v2, $0x6;
	s19 =	sadd.s32 s24, s19;
	s6 =	spop (v2sf);
	s0 =	smul.u32 $0x68DB8BAD, s22  }
0x45: {  	s22 =	sshra.s32 s12, $0x1F;
	s13 =	sshra.s32 s23, $0x1F;
	s8 =	sadd.s32 s15, s8  }
0x46: {  	s15 =	smulhi.u32 $0x68DB8BAD, s23;
	s25 =	sshra.s32 s19, $0x1F;
	s30 =	sshra.s32 s19, $0x8  }
0x47: {  	s28 =	spop (v2sf);
	s29 =	sshra.s32 s8, $0x8;
	s17 =	smulhi.u32 $0x68DB8BAD, s6  }
0x48: {  	s4 =	sshrl.u32 s8, $0x1F;
	s8 =	sshra.s32 s8, $0x1F;
	s31 =	sadd.s32 s3, s18  }
0x49: {  	s2 =	smul.u32 $0x68DB8BAD, s13;
	s18 =	sshra.s32 s7, $0x8;
	s14 =	sshra.s32 s28, $0x1F  }
0x4a: {  	s3 =	sshra.s32 s31, $0x1F;
	s14 =	smul.u32 $0x68DB8BAD, s14;
	s23 =	spop (v2sf)  }
0x4b: {  	s24 =	sadd.s32 s2, s15;
	s15 =	smulhi.u32 $0x68DB8BAD, s28;
	s26 =	spop (v2sf)  }
0x4c: {  	v3 =	vmov s22;
	s10 =	sshra.s32 s23, $0x1F;
	s23 =	smulhi.u32 $0x68DB8BAD, s23;
	s13 =	sshra.s32 s26, $0x1F  }
0x4d: {  	v3 =	vsel vm3, s18, v3;
	s2 =	sshrl.u32 s19, $0x1F;
	s20 =	smul.u32 $0x68DB8BAD, s13;
	s13 =	sshra.s32 s7, $0x1F  }
0x4e: {  	s5 =	smulhi.u32 $0x68DB8BAD, s26;
	s22 =	spop (v2sf);
	s26 =	sshra.s32 s6, $0x1F;
	v3 =	vsel vm9, s13, v3  }
0x4f: {  	s18 =	smulhi.u32 $0x68DB8BAD, s22;
	s19 =	sshra.s32 s22, $0x1F;
	s7 =	sshrl.u32 s7, $0x1F;
	v3 =	vsel vm0, s29, v3  }
0x50: {  	s13 =	spop (v2sf);
	v4 =	vmov s7;
	s7 =	sshrl.u32 s31, $0x1F;
	s22 =	sadd.s32 s20, s5;
	v3 =	vsel vm10, s8, v3  }
0x51: {  	s5 =	sshra.s32 s13, $0x1F;
	s20 =	smul.u32 $0x68DB8BAD, s19;
	s19 =	spop (v2sf);
	v3 =	vsel vm1, s30, v3  }
0x52: {  	s29 =	sadd.s32 s14, s15;
	s28 =	smulhi.u32 $0x68DB8BAD, s13;
	s8 =	sshra.s32 s31, $0x8;
	v3 =	vsel vm11, s25, v3  }
0x53: {  	v4 =	vnsel vm3, $0x0, v4;
	s15 =	spop (v2sf);
	s30 =	sadd.s32 s0, s21;
	s0 =	sshra.s32 s19, $0x1F;
	v3 =	vsel vm2, s8, v3  }
0x54: {  	v4 =	vsel vm0, s4, v4;
	s19 =	smulhi.u32 $0x68DB8BAD, s19;
	s6 =	sshra.s32 s15, $0x1F;
	s14 =	sshra.s32 s30, $0x8;
	v5 =	vsel vm12, s3, v3  }
0x55: {  	v4 =	vsel vm1, s2, v4;
	s25 =	sshrl.u32 s24, $0x1F;
	s21 =	smul.u32 $0x68DB8BAD, s0;
	s8 =	sshra.s32 s30, $0x1F;
	v3 =	vmov s1;
	v5 =	vsel vm4, s14, v5  }
.LBB2_3:
0x56: {  	s2 =	smul.u32 $0x68DB8BAD, s10  }
0x57: {  	s13 =	smul.u32 $0x68DB8BAD, s26  }
0x58: {  	s3 =	sshra.s32 s24, $0x8;
	s10 =	sshra.s32 s29, $0x8;
	s31 =	smulhi.u32 $0x68DB8BAD, s15  }
0x59: {  	s4 =	sshrl.u32 s30, $0x1F;
	s14 =	sadd.s32 s16, s9;
	s5 =	smul.u32 $0x68DB8BAD, s5  }
0x5a: {  	s0 =	sshra.s32 s22, $0x8;
	s9 =	sshrl.u32 s22, $0x1F;
	s6 =	smul.u32 $0x68DB8BAD, s6  }
0x5b: {  	v4 =	vsel vm2, s7, v4;
	v5 =	vsel vm13, s8, v5;
	s18 =	sadd.s32 s20, s18;
	s24 =	sshrl.u32 s14, $0x1F;
	s26 =	sshra.s32 s14, $0x8  }
0x5c: {  	v8 =	vmov s25;
	v4 =	vsel vm4, s4, v4;
	v6 =	vmov s3;
	s1 =	sshra.s32 s14, $0x1F;
	s4 =	sshrl.u32 s29, $0x1F;
	s20 =	sshrl.u32 s18, $0x1F  }
0x5d: {  	v9 =	vmov s10;
	s2 =	sadd.s32 s2, s23;
	v4 =	vsel vm5, s24, v4;
	v5 =	vsel vm5, s26, v5;
	s5 =	sadd.s32 s5, s28;
	s22 =	sadd.s32 s13, s17  }
0x5e: {  	v7 =	vmov s4;
	s6 =	sadd.s32 s6, s31;
	v9 =	vsel vm0, s0, v9;
	v5 =	vsel vm14, s1, v5;
	s16 =	sshra.s32 s2, $0x8;
	s2 =	sshrl.u32 s2, $0x1F  }
0x5f: {  	v7 =	vsel vm0, s9, v7;
	s23 =	sshrl.u32 s5, $0x1F;
	s5 =	sshra.s32 s5, $0x8;
	s0 =	sshrl.u32 s6, $0x1F;
	v6 =	vsel vm0, s16, v6;
	v8 =	vsel vm0, s2, v8  }
0x60: {  	s26 =	sshra.s32 s18, $0x8;
	s31 =	sadd.s32 s21, s19;
	s7 =	sshra.s32 s6, $0x8;
	v7 =	vsel vm1, s23, v7;
	v9 =	vsel vm1, s5, v9;
	v4 =	vsel vm6, s0, v4  }
0x61: {  	s4 =	sshrl.u32 s31, $0x1F;
	s8 =	sshra.s32 s31, $0x8;
	s6 =	sshra.s32 s6, $0x1F;
	v5 =	vsel vm6, s7, v5;
	v8 =	vsel vm1, s20, v8;
	v6 =	vsel vm1, s26, v6  }
0x62: {  	s15 =	sshrl.u32 s12, $0x1F;
	s24 =	sshrl.u32 s22, $0x1F;
	s1 =	sshra.s32 s22, $0x8;
	v7 =	vsel vm2, s4, v7;
	v9 =	vsel vm2, s8, v9;
	v5 =	vsel vm15, s6, v5  }
0x63: {  	s25 =	sshra.s32 s12, $0x8;
	v4 =	vsel vm7, s15, v4;
	v8 =	vsel vm2, s24, v8;
	v6 =	vsel vm2, s1, v6  }
0x64: {  	v5 =	vsel vm7, s25, v5;
	v7 =	vcombine.low v7, v8;
	v6 =	vcombine.low v9, v6  }
0x65: {  	s0 =	rddreg [dreg:$0x5];
	v4 =	vperm.xlane v4, v1;
	v5 =	vperm.xlane v5, v1  }
0x66: {  	v63 =	vld [tilespmem:s0+$0x4E20];
	v6 =	vperm.xlane v6, v0;
	v7 =	vperm.xlane v7, v0;
	_ =	sdelay $0x1  }
0x67: {  	v5 =	vsel vm8, v5, v6;
	v4 =	vsel vm8, v4, v7  }
0x68: {  	v4 =	vadd.s32 v4, v5  }
0x69: {  	v4 =	vmul.u32 $0x271, v4  }
0x6a: {  	v5 =	vmul.u32 $0x271, v63  }
0x6b: {  	v2 =	vsub.s32 v2, v4  }
0x6c: {  	s9 =	smov.u32 s11;
	v2 =	vadd.s32 v5, v2  }
0x6d: {  	s10 =	sshra.s32 s9, $0x2;
	[tilespmem:v3+s0+$0x0 ss:$0x1] =	vst.idx.msk $0xffff, v2  }
0x6e: {  	v2 =	vld [tilespmem:s10+$0x55F0];
	_ =	sdelay $0x4  }
0x6f: {  	(v2sf) =	vpush v2, $0x0  }
0x70: {  	(v2sf) =	vpush v2, $0x7;
	_ =	sdelay $0x1  }
0x71: {  	(v2sf) =	vpush v2, $0x1;
	_ =	sdelay $0x1  }
0x72: {  	(v2sf) =	vpush v2, $0x2;
	_ =	sdelay $0x1  }
0x73: {  	(v2sf) =	vpush v2, $0x5  }
0x74: {  	(v2sf) =	vpush v2, $0x3;
	_ =	sdelay $0x1  }
0x75: {  	(v2sf) =	vpush v2, $0x4;
	_ =	sdelay $0x1  }
0x76: {  	(v2sf) =	vpush v2, $0xC;
	_ =	sdelay $0x1  }
0x77: {  	(v2sf) =	vpush v2, $0xF  }
0x78: {  	(v2sf) =	vpush v2, $0x8;
	s12 =	spop (v2sf)  }
0x79: {  	s5 =	smulhi.u32 $0x68DB8BAD, s12;
	s13 =	spop (v2sf)  }
0x7a: {  	s14 =	sshra.s32 s13, $0x1F;
	s3 =	smulhi.u32 $0x68DB8BAD, s13  }
0x7b: {  	(v2sf) =	vpush v2, $0xD;
	s15 =	spop (v2sf);
	s2 =	smul.u32 $0x68DB8BAD, s14  }
0x7c: {  	s18 =	sshra.s32 s12, $0x1F;
	s6 =	smulhi.u32 $0x68DB8BAD, s15  }
0x7d: {  	p1 =	sne.s32 s11, $0x1F00;
	s19 =	spop (v2sf);
	s14 =	smul.u32 $0x68DB8BAD, s18  }
0x7e: {  	[dreg:$0x5] =	wrdreg s10;
	s17 =	sshra.s32 s15, $0x1F;
	s31 =	smulhi.u32 $0x68DB8BAD, s19  }
0x7f: {  	s11 =	sadd.s32 $0x40, s11;
	(v2sf) =	vpush v2, $0x9;
	s22 =	spop (v2sf);
	s7 =	smul.u32 $0x68DB8BAD, s17  }
0x80: {  	s21 =	sshra.s32 s19, $0x1F;
	s23 =	smulhi.u32 $0x68DB8BAD, s22;
	s24 =	spop (v2sf)  }
0x81: {  	(v2sf) =	vpush v2, $0xE;
	s12 =	sshra.s32 s22, $0x1F;
	s10 =	smul.u32 $0x68DB8BAD, s21;
	s25 =	sshra.s32 s24, $0x1F  }
0x82: {  	s16 =	smul.u32 $0x68DB8BAD, s12;
	s20 =	spop (v2sf);
	s12 =	sadd.s32 s2, s3  }
0x83: {  	s6 =	sadd.s32 s7, s6;
	s13 =	smulhi.u32 $0x68DB8BAD, s24;
	[dreg:$0x6] =	wrdreg s23  }
0x84: {  	s26 =	sshra.s32 s20, $0x1F;
	s3 =	sshra.s32 s12, $0x1F;
	s0 =	spop (v2sf)  }
0x85: {  	(v2sf) =	vpush v2, $0xA;
	s15 =	smul.u32 $0x68DB8BAD, s25;
	s25 =	sshra.s32 s6, $0x8;
	s28 =	sshrl.u32 s6, $0x1F  }
0x86: {  	s2 =	sadd.s32 s10, s31;
	s6 =	sshra.s32 s6, $0x1F;
	s22 =	spop (v2sf);
	(v2sf) =	vpush v2, $0xB  }
0x87: {  	s1 =	sshra.s32 s0, $0x1F;
	s21 =	smul.u32 $0x68DB8BAD, s26;
	s19 =	spop (v2sf);
	(v2sf) =	vpush v2, $0x6  }
0x88: {  	s8 =	smulhi.u32 $0x68DB8BAD, s0;
	s29 =	sshra.s32 s2, $0x1F;
	s31 =	sshra.s32 s2, $0x8  }
0x89: {  	s2 =	sshrl.u32 s2, $0x1F;
	s17 =	smulhi.u32 $0x68DB8BAD, s22;
	s13 =	sadd.s32 s15, s13  }
0x8a: {  	s23 =	smul.u32 $0x68DB8BAD, s1;
	s9 =	sshra.s32 s19, $0x1F;
	s30 =	spop (v2sf)  }
0x8b: {  	s1 =	sshra.s32 s13, $0x1F;
	s10 =	sshra.s32 s30, $0x1F;
	s7 =	smul.u32 $0x68DB8BAD, s9  }
0x8c: {  	s9 =	sadd.s32 s14, s5;
	s24 =	sadd.s32 s23, s8;
	s8 =	smulhi.u32 $0x68DB8BAD, s20  }
0x8d: {  	v4 =	vmov s3;
	s23 =	smulhi.u32 $0x68DB8BAD, s30;
	s5 =	sshra.s32 s9, $0x8;
	s14 =	sshra.s32 s9, $0x1F  }
0x8e: {  	v4 =	vsel vm3, s5, v4;
	s30 =	sadd.s32 s21, s8;
	s21 =	smulhi.u32 $0x68DB8BAD, s19;
	s26 =	spop (v2sf)  }
0x8f: {  	s9 =	sshrl.u32 s9, $0x1F;
	v4 =	vsel vm9, s14, v4;
	s4 =	sshra.s32 s26, $0x1F;
	s3 =	smulhi.u32 $0x68DB8BAD, s26  }
0x90: {  	s8 =	sshra.s32 s30, $0x1F;
	v4 =	vsel vm0, s25, v4;
	s0 =	spop (v2sf);
	s4 =	smul.u32 $0x68DB8BAD, s4  }
0x91: {  	s25 =	sshrl.u32 s24, $0x1F;
	v4 =	vsel vm10, s6, v4;
	s18 =	smulhi.u32 $0x68DB8BAD, s0;
	s0 =	sshra.s32 s0, $0x1F  }
0x92: {  	v5 =	vmov s9;
	s26 =	sshra.s32 s22, $0x1F;
	v4 =	vsel vm1, s31, v4;
	s31 =	sshra.s32 s30, $0x8;
	s20 =	smul.u32 $0x68DB8BAD, s0  }
.Ltmp0:
0x93: {  	v5 =	vnsel vm3, $0x0, v5;
	v6 =	vsel vm11, s29, v4;
	s29 =	sadd.s32 s7, s21;
	s7 =	sshrl.u32 s13, $0x1F;
	(pc) =	sbr.rel @p1 .LBB2_3-.Ltmp0, $4  }
0x94: {  	v5 =	vsel vm0, s28, v5;
	s0 =	sshra.s32 s13, $0x8;
	s22 =	sadd.s32 s4, s3;
	s14 =	spop (v2sf)  }
0x95: {  	v4 =	vsel vm1, s2, v5;
	v5 =	vsel vm2, s0, v6;
	s5 =	sshra.s32 s14, $0x1F;
	s28 =	smulhi.u32 $0x68DB8BAD, s14;
	s15 =	spop (v2sf)  }
0x96: {  	v5 =	vsel vm12, s1, v5;
	s9 =	sshra.s32 s15, $0x1F;
	s19 =	smulhi.u32 $0x68DB8BAD, s15;
	s15 =	spop (v2sf)  }
0x97: {  	v5 =	vsel vm4, s31, v5;
	s21 =	smul.u32 $0x68DB8BAD, s9;
	s6 =	sshra.s32 s15, $0x1F;
	s9 =	rddreg [dreg:$0x6]  }
0x98: {  	s0 =	smul.u32 $0x68DB8BAD, s10;
	s1 =	sshra.s32 s24, $0x8  }
0x99: {  	s2 =	sshra.s32 s29, $0x8;
	s3 =	smul.u32 $0x68DB8BAD, s26;
	s4 =	sshrl.u32 s30, $0x1F  }
0x9a: {  	s9 =	sadd.s32 s16, s9;
	s11 =	smulhi.u32 $0x68DB8BAD, s15;
	s24 =	sshra.s32 s22, $0x8  }
0x9b: {  	s5 =	smul.u32 $0x68DB8BAD, s5;
	s26 =	sshrl.u32 s29, $0x1F;
	s29 =	sshrl.u32 s22, $0x1F  }
0x9c: {  	v4 =	vsel vm2, s7, v4;
	v5 =	vsel vm13, s8, v5;
	s6 =	smul.u32 $0x68DB8BAD, s6;
	s31 =	sadd.s32 s20, s18;
	s16 =	sshrl.u32 s9, $0x1F  }
0x9d: {  	v7 =	vmov s25;
	v4 =	vsel vm4, s4, v4;
	v6 =	vmov s1;
	s13 =	sshrl.u32 s31, $0x1F;
	s20 =	sadd.s32 s21, s19;
	s0 =	sadd.s32 s0, s23  }
0x9e: {  	v8 =	vmov s26;
	v9 =	vmov s2;
	s23 =	sshra.s32 s9, $0x8;
	s9 =	sshra.s32 s9, $0x1F;
	v4 =	vsel vm5, s16, v4;
	s5 =	sadd.s32 s5, s28  }
0x9f: {  	v8 =	vsel vm0, s29, v8;
	s16 =	sadd.s32 s6, s11;
	v9 =	vsel vm0, s24, v9;
	v5 =	vsel vm5, s23, v5;
	s30 =	sshra.s32 s0, $0x8;
	s0 =	sshrl.u32 s0, $0x1F  }
0xa0: {  	s14 =	sshrl.u32 s5, $0x1F;
	s18 =	sshra.s32 s5, $0x8;
	s2 =	sshrl.u32 s16, $0x1F;
	v5 =	vsel vm14, s9, v5;
	v7 =	vsel vm0, s0, v7;
	v6 =	vsel vm0, s30, v6  }
0xa1: {  	s3 =	sadd.s32 s3, s17;
	s17 =	sshra.s32 s31, $0x8;
	s21 =	sshra.s32 s16, $0x8;
	v8 =	vsel vm1, s14, v8;
	v9 =	vsel vm1, s18, v9;
	v4 =	vsel vm6, s2, v4  }
0xa2: {  	s24 =	sshrl.u32 s20, $0x1F;
	s28 =	sshrl.u32 s12, $0x1F;
	s23 =	sshra.s32 s20, $0x8;
	v7 =	vsel vm1, s13, v7;
	v6 =	vsel vm1, s17, v6;
	v5 =	vsel vm6, s21, v5  }
0xa3: {  	s15 =	sshrl.u32 s3, $0x1F;
	s22 =	sshra.s32 s3, $0x8;
	s25 =	sshra.s32 s16, $0x1F;
	v9 =	vsel vm2, s23, v9;
	v8 =	vsel vm2, s24, v8;
	v4 =	vsel vm7, s28, v4  }
0xa4: {  	s26 =	sshra.s32 s12, $0x8;
	v7 =	vsel vm2, s15, v7;
	v6 =	vsel vm2, s22, v6;
	v5 =	vsel vm15, s25, v5  }
0xa5: {  	s29 =	rddreg [dreg:$0x5];
	v6 =	vcombine.low v9, v6;
	v7 =	vcombine.low v8, v7;
	v5 =	vsel vm7, s26, v5  }
0xa6: {  	s30 =	sld [smem:$0x7FB];
	v4 =	vperm.xlane v4, v1;
	v5 =	vperm.xlane v5, v1  }
0xa7: {  	v62 =	vld [tilespmem:s29+$0x4E20];
	v6 =	vperm.xlane v6, v0;
	v7 =	vperm.xlane v7, v0;
	_ =	sdelay $0x1  }
0xa8: {  	s0 =	sadd.s32 $0x1, s30;
	v5 =	vsel vm8, v5, v6;
	v4 =	vsel vm8, v4, v7  }
0xa9: {  	p1 =	sne.s32 s0, $0xA;
	v4 =	vadd.s32 v4, v5  }
.Ltmp1:
0xaa: {  	v4 =	vmul.u32 $0x271, v4;
	(pc) =	sbr.rel @p1 .LBB2_2-.Ltmp1, $4  }
0xab: {  	s31 =	sld [smem:$0x7FC];
	v63 =	vmul.u32 $0x271, v62  }
0xac: {  	v2 =	vsub.s32 v2, v4  }
0xad: {  	v2 =	vadd.s32 v63, v2  }
0xae: {  	s4 =	simm.s32 $0x2;
	s1 =	sadd.s32 $0x7D0, s31;
	[tilespmem:v3+s29+$0x0 ss:$0x1] =	vst.idx.msk $0xffff, v2  }
0xaf: {  	s7 =	simm.s32 $0x0;
	s16 =	rddreg [dreg:$0x7];
	s1 =	simm.s32 $0x60E0  }
0xb0: {  	[tilespmem:s1], [sflag:$0x2] =	stream.linear.gather [hbm4b:s16+s7], $0x1900, $0x38;
	[tilespmem:$0x1FB60] =	vst v63  }
0xb1: {  	_ =	swait.ge [sflag:s4], $0x1900  }
0xb2: {  	s17 =	rddreg [dreg:$0x8]  }
0xb3: {  	s18 =	rddreg [dreg:$0xa]  }
0xb4: {  	s19 =	rddreg [dreg:$0xb]  }
0xb5: {  	s20 =	rddreg [dreg:$0xc]  }
0xb6: {  	s21 =	rddreg [dreg:$0xd]  }
0xb7: {  	s22 =	rddreg [dreg:$0xe]  }
0xb8: {  	s23 =	rddreg [dreg:$0xf]  }
0xb9: {  	s24 =	rddreg [dreg:$0x10]  }
0xba: {  	s25 =	rddreg [dreg:$0x12]  }
0xbb: {  	s26 =	rddreg [dreg:$0x13]  }
0xbc: {  	s28 =	rddreg [dreg:$0x14]  }
0xbd: {  	s29 =	rddreg [dreg:$0x15]  }
0xbe: {  	[sflag:s4] =	ssyncset.done $0x0;
	s30 =	rddreg [dreg:$0x16]  }
0xbf: {  	s31 =	rddreg [dreg:$0x17];
	[sflag:s4] =	ssyncadd.s32 $0xFFFFE700  }
0xc0: {  	s14 =	stileid.u32;
	s15 =	simm.s32 $0x0;
	s13 =	rddreg [dreg:$0x3]  }
.LBB2_6:
0xc1: {  	[spmem:s20] =	stream.linear.scatter [tilespmem:s1], [sflag:$0x2], $0x1900, $0x38;
	[tilespmem:$0x1FB60] =	vst v63  }
0xc2: {  	_ =	swait.ge [sflag:s4], $0x1900  }
0xc3: {  	[sflag:s4] =	ssyncset.done $0x0  }
0xc4: {  	[sflag:s4] =	ssyncadd.s32 $0xFFFFE700  }
0xc5: {  	[spmem:s25] =	stream.linear.scatter [tilespmem:s1], [sflag:$0x2], $0x1900, $0x38;
	[tilespmem:$0x1FB60] =	vst v63  }
0xc6: {  	_ =	swait.ge [sflag:s4], $0x1900  }
0xc7: {  	[sflag:s4] =	ssyncset.done $0x0  }
0xc8: {  	[sflag:s4] =	ssyncadd.s32 $0xFFFFE700  }
0xc9: {  	[spmem:s26] =	stream.linear.scatter [tilespmem:s1], [sflag:$0x2], $0x1900, $0x38;
	[tilespmem:$0x1FB60] =	vst v63  }
0xca: {  	_ =	swait.ge [sflag:s4], $0x1900  }
0xcb: {  	[sflag:s4] =	ssyncset.done $0x0  }
0xcc: {  	[sflag:s4] =	ssyncadd.s32 $0xFFFFE700  }
0xcd: {  	[spmem:s28] =	stream.linear.scatter [tilespmem:s1], [sflag:$0x2], $0x1900, $0x38;
	[tilespmem:$0x1FB60] =	vst v63  }
0xce: {  	_ =	swait.ge [sflag:s4], $0x1900  }
0xcf: {  	[sflag:s4] =	ssyncset.done $0x0  }
0xd0: {  	[sflag:s4] =	ssyncadd.s32 $0xFFFFE700  }
0xd1: {  	[spmem:s29] =	stream.linear.scatter [tilespmem:s1], [sflag:$0x2], $0x1900, $0x38;
	[tilespmem:$0x1FB60] =	vst v63  }
0xd2: {  	_ =	swait.ge [sflag:s4], $0x1900  }
0xd3: {  	[sflag:s4] =	ssyncset.done $0x0  }
0xd4: {  	[sflag:s4] =	ssyncadd.s32 $0xFFFFE700  }
0xd5: {  	[spmem:s30] =	stream.linear.scatter [tilespmem:s1], [sflag:$0x2], $0x1900, $0x38;
	[tilespmem:$0x1FB60] =	vst v63  }
0xd6: {  	_ =	swait.ge [sflag:s4], $0x1900  }
0xd7: {  	[sflag:s4] =	ssyncset.done $0x0  }
0xd8: {  	[sflag:s4] =	ssyncadd.s32 $0xFFFFE700  }
0xd9: {  	[spmem:s31] =	stream.linear.scatter [tilespmem:s1], [sflag:$0x2], $0x1900, $0x38;
	[tilespmem:$0x1FB60] =	vst v63  }
0xda: {  	_ =	swait.ge [sflag:s4], $0x1900  }
0xdb: {  	[sflag:s4] =	ssyncset.done $0x0  }
0xdc: {  	s0 =	rddreg [dreg:$0x18];
	[sflag:s4] =	ssyncadd.s32 $0xFFFFE700  }
0xdd: {  	[spmem:s0] =	stream.linear.scatter [tilespmem:s1], [sflag:$0x2], $0x1900, $0x38;
	[tilespmem:$0x1FB60] =	vst v63  }
0xde: {  	_ =	swait.ge [sflag:s4], $0x1900  }
0xdf: {  	[sflag:s4] =	ssyncset.done $0x0  }
0xe0: {  	s10 =	rddreg [dreg:$0x19];
	[sflag:s4] =	ssyncadd.s32 $0xFFFFE700  }
0xe1: {  	[spmem:s10] =	stream.linear.scatter [tilespmem:s1], [sflag:$0x2], $0x1900, $0x38;
	[tilespmem:$0x1FB60] =	vst v63  }
0xe2: {  	_ =	swait.ge [sflag:s4], $0x1900  }
0xe3: {  	[sflag:s4] =	ssyncset.done $0x0  }
0xe4: {  	s11 =	rddreg [dreg:$0x1a];
	[sflag:s4] =	ssyncadd.s32 $0xFFFFE700  }
0xe5: {  	[spmem:s11] =	stream.linear.scatter [tilespmem:s1], [sflag:$0x2], $0x1900, $0x38;
	[tilespmem:$0x1FB60] =	vst v63  }
0xe6: {  	_ =	swait.ge [sflag:s4], $0x1900  }
0xe7: {  	[sflag:s4] =	ssyncset.done $0x0  }
0xe8: {  	s12 =	rddreg [dreg:$0x1b];
	[sflag:s4] =	ssyncadd.s32 $0xFFFFE700  }
0xe9: {  	[spmem:s12] =	stream.linear.scatter [tilespmem:s1], [sflag:$0x2], $0x1900, $0x38;
	[tilespmem:$0x1FB60] =	vst v63  }
0xea: {  	_ =	swait.ge [sflag:s4], $0x1900  }
0xeb: {  	[sflag:s4] =	ssyncset.done $0x0  }
0xec: {  	s2 =	rddreg [dreg:$0x1c];
	[sflag:s4] =	ssyncadd.s32 $0xFFFFE700  }
0xed: {  	[spmem:s2] =	stream.linear.scatter [tilespmem:s1], [sflag:$0x2], $0x1900, $0x38;
	[tilespmem:$0x1FB60] =	vst v63  }
0xee: {  	_ =	swait.ge [sflag:s4], $0x1900  }
0xef: {  	[sflag:s4] =	ssyncset.done $0x0  }
0xf0: {  	s3 =	rddreg [dreg:$0x1d];
	[sflag:s4] =	ssyncadd.s32 $0xFFFFE700  }
0xf1: {  	[spmem:s3] =	stream.linear.scatter [tilespmem:s1], [sflag:$0x2], $0x1900, $0x38;
	[tilespmem:$0x1FB60] =	vst v63  }
0xf2: {  	_ =	swait.ge [sflag:s4], $0x1900  }
0xf3: {  	[sflag:s4] =	ssyncset.done $0x0  }
0xf4: {  	s5 =	rddreg [dreg:$0x1e];
	[sflag:s4] =	ssyncadd.s32 $0xFFFFE700  }
0xf5: {  	[spmem:s5] =	stream.linear.scatter [tilespmem:s1], [sflag:$0x2], $0x1900, $0x38;
	[tilespmem:$0x1FB60] =	vst v63  }
0xf6: {  	_ =	swait.ge [sflag:s4], $0x1900  }
0xf7: {  	s8 =	sshrl.u32 s7, $0x1;
	p1 =	seq.s32 s7, $0xF;
	[sflag:s4] =	ssyncset.done $0x0  }
0xf8: {  	s9 =	sadd.s32 s19, s8;
	s6 =	rddreg [dreg:$0x1f];
	[sflag:s4] =	ssyncadd.s32 $0xFFFFE700  }
0xf9: {  	[spmem:s6] =	stream.linear.scatter [tilespmem:s1], [sflag:$0x2], $0x1900, $0x38;
	[tilespmem:$0x1FB60] =	vst v63  }
0xfa: {  	s0 =	ssub.s32 $0x0, s8;
	s2 =	sand.u32 $0x1, s7;
	_ =	swait.ge [sflag:s4], $0x1900  }
0xfb: {  	s10 =	smul.u32 $0x2FAF0, s2;
	s3 =	simm.s32 @p0 $0x2;
	[sflag:s4] =	ssyncset.done $0x0  }
0xfc: {  	s1 =	simm.s32 @p0 $0x60E0;
	s6 =	simm.s32 @!p0 $0x2;
	[sflag:s4] =	ssyncadd.s32 $0xFFFFE700  }
0xfd: {  	[spmem:s22] =	stream.linear.scatter @p0 [tilespmem:s1], [sflag:$0x2], $0x640, $0x38;
	[tilespmem:$0x1FB60] =	vst v63  }
0xfe: {  	s1 =	smul.u32 $0x5F5E1, s9;
	s9 =	sadd.s32 $0x1, s7;
	_ =	swait.ge @p0 [sflag:s3], $0x640  }
0xff: {  	s4 =	simm.s32 $0x2;
	s5 =	sshrl.u32 s9, $0x1;
	[sflag:s3] =	ssyncset.done @p0 $0x0  }
0x100: {  	s5 =	ssub.s32 $0x0, s5;
	[sflag:s3] =	ssyncadd.s32 @p0 $0xFFFFF9C0;
	s3 =	simm.s32 @!p0 $0x60E0  }
0x101: {  	[spmem:s21] =	stream.linear.scatter @!p0 [tilespmem:s3], [sflag:$0x2], $0x680, $0x38;
	[tilespmem:$0x1FB60] =	vst v63  }
0x102: {  	s10 =	sadd.s32 s10, s1;
	s1 =	simm.s32 $0x60E0;
	s3 =	sand.u32 $0x7, s5  }
0x103: {  	s5 =	sand.u32 $0x7, s0;
	s3 =	simm.s32 @p1 $0x0;
	_ =	swait.ge @!p0 [sflag:s6], $0x680  }
0x104: {  	s11 =	sadd.s32 s2, s3;
	[sflag:s6] =	ssyncset.done @!p0 $0x0;
	s2 =	simm.s32 $0x320  }
0x105: {  	s3 =	simm.s32 $0x5DC0;
	s12 =	sor.u32 $0x2FAF0, s11;
	[sflag:s6] =	ssyncadd.s32 @!p0 $0xFFFFF980  }
0x106: {  	v2 =	vmov s10;
	s11 =	simm.s32 $0x0;
	s6 =	simm.s32 $0x0;
	[bflag:$0x0] =	sbarrier.arrive $0xFFFF;
	v3 =	vmov s12  }
.LBB2_7:
0x107: {  	v4 =	vmov s11;
	_ =	sdelay $0x3  }
0x108: {  	s8 =	simm.s32 $0x0;
	s12 =	simm.s32 $0x40  }
.LBB2_8:
0x109: {  	p1 =	sne.s32 s12, $0xC40;
	v5 =	vld.idx.msk [tilespmem:v4+s8+$0x0 ss:$0x1], $0xffff;
	_ =	sdelay $0x5  }
.Ltmp2:
0x10a: {  	v6 =	vsub.s32 v5, v2;
	(pc) =	sbr.rel @p1 .LBB2_8-.Ltmp2, $4  }
0x10b: {  	v5 =	vand.u32 $0x7FF, v5;
	vm9 =	vgt.s32 v6, $0xFFFFFFFF;
	vm10 =	vlt.s32 v6, v3  }
0x10c: {  	v5 =	vadd.s32 $0x2FB00, v5;
	vm9 =	vmand vm9, vm10  }
0x10d: {  	v5 =	vsel vm9, v6, v5  }
0x10e: {  	[tilespmem:s8+$0x5DC0] =	vst v5;
	s8 =	sshra.s32 s12, $0x2;
	s12 =	sadd.s32 $0x40, s12  }
0x10f: {  	_ =	sdelay $0x3  }
0x110: {  	v4 =	vld.idx.msk [tilespmem:v4+s8+$0x0 ss:$0x1], $0xffff;
	_ =	sdelay $0x4  }
0x111: {  	v5 =	vsub.s32 v4, v2  }
0x112: {  	v4 =	vand.u32 $0x7FF, v4;
	vm9 =	vgt.s32 v5, $0xFFFFFFFF;
	vm10 =	vlt.s32 v5, v3  }
0x113: {  	s0 =	smul.u32 $0x320, s6;
	v4 =	vadd.s32 $0x2FB00, v4;
	vm9 =	vmand vm9, vm10  }
0x114: {  	v4 =	vsel vm9, v5, v4  }
0x115: {  	s0 =	sadd.s32 s0, s23;
	[tilespmem:s8+$0x5DC0] =	vst v4  }
0x116: {  	[tilespmem:s1], [sflag:$0x2] =	stream.linear.gather [hbm4b:s0+s15], $0x1900, $0x38;
	[tilespmem:$0x1FB60] =	vst v63  }
0x117: {  	s6 =	sadd.s32 $0x1, s6;
	_ =	swait.ge [sflag:s4], $0x1900  }
0x118: {  	p1 =	sne.s32 s6, $0x19;
	[sflag:s4] =	ssyncset.done $0x0  }
.Ltmp3:
0x119: {  	[sflag:s4] =	ssyncadd.s32 $0xFFFFE700;
	(pc) =	sbr.rel @p1 .LBB2_7-.Ltmp3, $4  }
0x11a: {  	[spmem:s13] =	stream.indirect.scatter.add.f32 [tilespmem:s1], [sflag:$0x2], $0x8, s3, s2, $0xb8;
	[tilespmem:$0x1FB60] =	vst v63  }
0x11b: {  	_ =	swait.ge [sflag:s4], $0x1900  }
0x11c: {  	[sflag:s4] =	ssyncset.done $0x0  }
0x11d: {  	s11 =	sadd.s32 $0x320, s11;
	[sflag:s4] =	ssyncadd.s32 $0xFFFFE700  }
0x11e: {  	p1 =	sne.s32 @p0 s7, $0x1  }
0x11f: {  	p2 =	por !p1, !p0  }
0x120: {  	s0 =	sadd.s32 s5, s10;
	s1 =	sshll.u32 @!p2 s5, $0x3  }
0x121: {  	[bflag:$0x0] =	sbarrier.arrive $0xFFFF;
	s0 =	sadd.s32 s18, s0;
	s1 =	sadd.s32 @!p2 s1, s13  }
0x122: {  	s2 =	sand.u32 @p0 $0x1FFFFFF8, s0;
	s1 =	sadd.s32 @!p2 $0x165A80, s1  }
0x123: {  	s3 =	simm.s32 @!p2 $0x1FC1;
	s2 =	sadd.s32 @p0 s17, s2;
	s1 =	sshrl.u32 @!p2 s1, $0x3  }
0x124: {  	[hbm:s2], [sflag:s3] =	dma.local @!p2 [spmem:s1], $0x2FA0  }
0x125: {  	s1 =	simm.s32 @!p2 $0x1  }
0x126: {  	_ =	swait.ge @!p2 [sflag:s1], $0x2FA0  }
0x127: {  	p1 =	por p1, !p0;
	[sflag:s1] =	ssyncset.done @!p2 $0x0  }
0x128: {  	s3 =	simm.s32 @!p1 $0x1FC1;
	[sflag:s1] =	ssyncadd.s32 @!p2 $0xFFFFD060;
	s1 =	sshrl.u32 @!p1 s24, $0x3  }
0x129: {  	[hbm:s2], [sflag:s3] =	dma.local @!p1 [spmem:s1], $0x2FA8  }
0x12a: {  	s1 =	simm.s32 @!p1 $0x1  }
0x12b: {  	_ =	swait.ge @!p1 [sflag:s1], $0x2FA8  }
0x12c: {  	s2 =	sor.u32 @!p0 s18, s5;
	[sflag:s1] =	ssyncset.done @!p1 $0x0  }
0x12d: {  	[sflag:s1] =	ssyncadd.s32 @!p1 $0xFFFFD058;
	s1 =	sshll.u32 @!p0 s2, $0x3  }
0x12e: {  	s0 =	sand.u32 @!p0 $0x1FFFFFF8, s0;
	s2 =	sshll.u32 @!p0 s14, $0x6;
	s1 =	sadd.s32 @!p0 s1, s13  }
0x12f: {  	s0 =	sadd.s32 @!p0 s17, s0;
	s2 =	sor.u32 @!p0 $0x1C01, s2;
	s1 =	sshrl.u32 @!p0 s1, $0x3  }
0x130: {  	[hbm:s0], [sflag:s2] =	dma.local @!p0 [spmem:s1], $0x2FB0  }
0x131: {  	s0 =	simm.s32 @!p0 $0x1  }
0x132: {  	_ =	swait.ge @!p0 [sflag:s0], $0x2FB0  }
0x133: {  	[sflag:s0] =	ssyncset.done @!p0 $0x0  }
0x134: {  	p1 =	sne.s32 s9, $0x10;
	[sflag:s0] =	ssyncadd.s32 @!p0 $0xFFFFD050  }
.Ltmp4:
0x135: {  	s1 =	simm.s32 $0x60E0;
	[bflag:$0x0] =	sbarrier.arrive $0xFFFF;
	(pc) =	sbr.rel @p1 .LBB2_6-.Ltmp4, $4  }
0x136: {  	[tilespmem:s1], [sflag:$0x2] =	stream.linear.gather [hbm4b:s16+s15], $0x1900, $0x38;
	[tilespmem:$0x1FB60] =	vst v63  }
0x137: {  	_ =	swait.ge [sflag:s4], $0x1900  }
0x138: {  	[sflag:s4] =	ssyncset.done $0x0  }
0x139: {  	s7 =	smov.u32 s9;
	[sflag:s4] =	ssyncadd.s32 $0xFFFFE700  }
0x13a: {  	s1 =	sld [smem:$0x7FD];
	_ =	sdelay $0x2  }
0x13b: {  	s0 =	rddreg [dreg:$0x11];
	s1 =	sadd.s32 $0x1, s1  }
0x13c: {  	p1 =	sne.s32 s1, s0  }
.Ltmp5:
0x13d: {  	_ = 	snop;
	(pc) =	sbr.rel @p1 .LBB2_1-.Ltmp5, $2  }
0x13e: {  	_ =	sdelay $0x2  }
0x13f: {  	vm9 =	vcmask $0x704;
	vm10 =	vcmask $0xF0C  }
0x140: {  	_ =	sfence.sel $0x180000  }
0x141: {  	[bflag:$0x0] =	sbarrier.arrive $0xFFFF  }
0x142: {  	_ =	strace $0x90000047  }
0x143: {  	[bflag:$0x2] =	sbarrier.arrive $0xFFFF  }
0x144: {  	p0 =	sne.s32 s14, $0x0;
	s0 =	rddreg [dreg:$0x4]  }
0x145: {  	s0 =	sadd.s32 @!p0 $0x100000, s0  }
0x146: {  	[sflag:s0] =	ssyncadd.tile.s32 @!p0 $0x1;
	_ =	shalt  }
.Lfunc_end2:
_tile_overlayer_lowered:
.L_overlay_start_2:
0x147: {  	(tag) =	ssettag $0x2  }
0x148: {  	s0 =	rddreg [dreg:$0x0];
	s2 =	stileid.u32  }
0x149: {  	s1 =	rddreg [dreg:$0x1];
	p0 =	sne.s32 s2, $0x0  }
0x14a: {  	s3 =	rddreg [dreg:$0x2];
	[bflag:$0x3] =	sbarrier.arrive $0xFFFF;
	s2 =	simm.s32 @!p0 $0x1C02  }
0x14b: {  	[timem:s3], [sflag:s2] =	dma.local @!p0 [hbm:s0], s1  }
0x14c: {  	s0 =	simm.s32 @!p0 $0x2  }
0x14d: {  	_ =	swait.ge @!p0 [sflag:s0], s1  }
0x14e: {  	s1 =	ssub.s32 @!p0 $0x0, s1;
	[sflag:s0] =	ssyncset.done @!p0 $0x0  }
0x14f: {  	[sflag:s0] =	ssyncadd.s32 @!p0 s1  }
0x150: {  	[bflag:$0x3] =	sbarrier.arrive $0xFFFF  }
0x151: {  	_ =	shalt  }

// kernel: sparse-core-data-format-call.1.cloned.1.call-start
scs
called_computation.1_lowered:
.L_overlay_start_0:
0x0: {  	s1 =	sld [smem:$0x3FD9]  }
0x1: {  	s2 =	sld [smem:$0x3FFE];
	_ =	sdelay $0x1  }
0x2: {  	s3 =	srdreg.scid  }
0x3: {  	s0 =	sand.u32 $0x1, s3  }
0x4: {  	s17 =	sshll.u32 s0, $0xA;
	s1 =	sadd.s32 s2, s1  }
0x5: {  	s1 =	sadd.s32 s1, s17  }
0x6: {  	[smem:$0x3FC5] =	sst s1  }
0x7: {  	_ = 	snop  }
0x8: {  	(tm) =	ssettm $0x1  }
0x9: {  	s18 =	sld [smem:$0x3FFB];
	_ =	sdelay $0x3  }
0xa: {  	_ =	strace s18  }
0xb: {  	s1 =	sld [smem:$0x3FFC];
	_ =	sdelay $0x3  }
0xc: {  	_ =	strace s1  }
0xd: {  	s1 =	sld [smem:$0x3FFD];
	_ =	sdelay $0x3  }
0xe: {  	_ =	strace s1  }
0xf: {  	_ =	strace $0x8FFFFFFF  }
0x10: {  	s19 =	sld [smem:$0x3FDB];
	_ =	sdelay $0x1  }
0x11: {  	s20 =	simm.s32 $_scs_section_size  }
0x12: {  	s4 =	simm.s32 $_size__tile_overlayer_lowered;
	s5 =	simm.s32 $_tile_overlayer_lowered  }
0x13: {  	s23 =	simm.s32 $0x1BFF;
	s22 =	sshll.u32 s5, $0x1;
	s1 =	sadd.s32 s20, s19  }
0x14: {  	s6 =	simm.s32 $0x0;
	s21 =	sshll.u32 s4, $0x1;
	s4 =	sadd.s32 s22, s1  }
0x15: {  	[timem:s6], [sflag:s23] =	dma.local [hbm:s4], s21  }
0x16: {  	_ =	swait.ge [sflag:s23], s21  }
0x17: {  	s2 =	ssub.s32 $0x0, s21;
	[sflag:s23] =	ssyncset.done $0x0  }
0x18: {  	[sflag:s23] =	ssyncadd.s32 s2;
	_ =	sdelay $0x1  }
0x19: {  	s24 =	simm.s32 $0x1B8B  }
0x1a: {  	_ =	swait.ge [sflag:s24], $0x1  }
0x1b: {  	[sflag:s24] =	ssyncset.done $0x0  }
0x1c: {  	s26 =	simm.s32 $0x1B8E;
	s25 =	sld [smem:$0x3FFE];
	[sflag:s24] =	ssyncadd.s32 $0xFFFFFFFF  }
0x1d: {  	s27 =	simm.s32 $execute0_lowered;
	[smem:$0x3FD2] =	sst s26  }
0x1e: {  	s4 =	sshll.u32 s27, $0x1;
	_ =	strace $0x80000049;
	[dreg:$0x1] =	wrdreg $0xFFFFFFFF  }
0x1f: {  	s28 =	simm.s32 $_size_execute0_lowered;
	s1 =	sadd.s32 s1, s4;
	[dreg:$0x0] =	wrdreg $0x0  }
0x20: {  	s4 =	sshll.u32 s28, $0x1;
	[dreg:$0x2] =	wrdreg s1  }
0x21: {  	[dreg:$0x3] =	wrdreg s4  }
0x22: {  	[dreg:$0x4] =	wrdreg $0xC0  }
0x23: {  	_ =	task [dreg:s6], $0x5FFFF  }
0x24: {  	[dreg:$0x1] =	wrdreg $0xFFFFFFFF  }
0x25: {  	[dreg:$0x0] =	wrdreg $0x60  }
0x26: {  	[dreg:$0x2] =	wrdreg s25  }
0x27: {  	[dreg:$0x3] =	wrdreg $0x9  }
0x28: {  	_ =	task.clear_ibuf [dreg:s6], $0x4FFFF;
	_ =	strace $0x90000049  }
0x29: {  	s29 =	simm.s32 $0x9;
	_ =	strace $0x8000004B  }
0x2a: {  	_ =	swait.ge [sflag:s29], $0x1  }
0x2b: {  	[sflag:s29] =	ssyncadd.s32 $0xFFFFFFFF  }
0x2c: {  	_ =	strace $0x9000004B  }
0x2d: {  	_ =	sfence  }
0x2e: {  	s30 =	sld [smem:$0x0];
	_ =	sdelay $0x2  }
0x2f: {  	s31 =	sshll.u32 s3, $0xD;
	s3 =	sshrl.u32 s3, $0x2  }
0x30: {  	s2 =	sand.u32 $0x4000, s31;
	s1 =	sadd.s32 s3, s30  }
0x31: {  	s0 =	sor.u32 s2, s0;
	s1 =	sshll.u32 s1, $0x11  }
0x32: {  	s0 =	sor.u32 s1, s0  }
0x33: {  	s0 =	sadd.s32 $0x8F2B, s0  }
0x34: {  	[sflag:s0] =	ssyncadd.remote.s32 $0x1  }
0x35: {  	_ =	sfence.sel $0xFFFF  }
0x36: {  	[dreg:$0x0] =	wrdreg $0xFFFFFFFF;
	(pc) =	sbr.abs _section_cstart, $3  }
0x37: {  	[dreg:$0x1] =	wrdreg $0xFFFFFFFF  }
0x38: {  	_ =	task.clear_ibuf [dreg:s6], $0x2FFFF;
	_ =	strace $0x9FFFFFFF  }
0x39: {  	(tm) =	ssettm $0x7FFFFFFF  }
tec
execute0_lowered:
.L_overlay_start_1:
0x0: {  	(tag) =	ssettag $0x1  }
0x1: {  	s0 =	srdreg.scid  }
0x2: {  	s4 =	rddreg [dreg:$0x0];
	s1 =	stileid.u32  }
0x3: {  	s5 =	simm.s32 $0x1;
	s7 =	simm.s32 $0x2;
	s0 =	sshll.u32 s0, $0x4  }
0x4: {  	s12 =	simm.s32 $0x0;
	s8 =	simm.s32 $0x17D7A00;
	s2 =	sand.u32 $0x10, s0  }
.Ltmp0:
0x5: {  	s10 =	simm.s32 $0x0;
	s3 =	sor.u32 s1, s2;
	(pc) =	sbr.rel .LBB1_1-.Ltmp0, $4  }
0x6: {  	s0 =	rddreg [dreg:$0x1];
	_ =	strace $0x8000004A;
	s3 =	sshll.u32 s3, $0x7  }
0x7: {  	s11 =	simm.s32 $0x0;
	s2 =	sadd.s32 $0x5F7400, s4;
	s6 =	ssub.s32 $0x5F5E00, s3  }
0x8: {  	s4 =	sadd.s32 $0x1000, s4;
	[sflag:s5] =	ssyncpa.u1 $0x0;
	s6 =	sshrl.u32 s6, $0xC  }
0x9: {  	[sflag:s7] =	ssyncpa.u1 $0x0;
	s9 =	smov.u32 s3;
	s7 =	sor.u32 $0x2, s6  }
.LBB1_5:
0xa: {  	[tilespmem:s18+$0x0 ss:$0x81] =	vst.msk $0xffff, v1  }
.LBB1_6:
0xb: {  	s15 =	sshll.u32 s10, $0x2  }
0xc: {  	s16 =	sand.u32 $0x7F, s10;
	s15 =	sand.u32 $0xFFFFFE00, s15  }
0xd: {  	s16 =	sor.u32 s16, s15  }
0xe: {  	p0 =	sgt.s32 s10, $0x5F5E00;
	s18 =	smov.u32 s10;
	s17 =	smulhi.u32 $0xABCBAD5, s16  }
0xf: {  	s18 =	simm.s32 @!p0 $0x5F5E00  }
0x10: {  	s13 =	sadd.s32 s13, s18;
	s15 =	smulhi.u32 $0xABCBAD5, s15;
	s17 =	sshrl.u32 s17, $0x12  }
0x11: {  	s13 =	sadd.s32 $0xFFA0A200, s13;
	s17 =	smul.u32 $0x5F5E80, s17  }
0x12: {  	s15 =	sshrl.u32 s15, $0x12;
	s29 =	sshll.u32 s13, $0x4;
	p0 =	sgt.s32 s13, $0x7F  }
0x13: {  	s15 =	sand.u32 $0x3, s15;
	s30 =	ssub.s32 $0x800, s29;
	s16 =	ssub.s32 s16, s17  }
0x14: {  	s15 =	smul.u32 $0xBEBD0, s15;
	s31 =	sshrl.u32 s16, $0x3;
	s16 =	sand.u32 $0x7, s16  }
0x15: {  	s13 =	sshrl.u32 s30, $0x2;
	s17 =	sadd.s32 s4, s31;
	s16 =	sshll.u32 s16, $0x12  }
0x16: {  	s13 =	simm.s32 @p0 $0x0;
	s15 =	sadd.s32 s15, s17;
	s16 =	sor.u32 $0x200, s16  }
0x17: {  	[hbm4b:s15+s16] =	stream.strided.scatter [tilespmem:s14], [sflag:$0x2], s13, s8, s16, $0x20;
	[tilespmem:$0x4040] =	vst v63  }
.LBB1_7:
0x18: {  	p0 =	slt.u32 s11, $0x2  }
0x19: {  	p1 =	sgt.s32 @!p0 s12, $0x5F5E00  }
0x1a: {  	s13 =	smov.u32 s12;
	s14 =	sshra.s32 @!p0 s12, $0x1F;
	p1 =	por !p1, p0  }
0x1b: {  	s12 =	sand.u32 @!p0 s14, s12;
	s13 =	simm.s32 @p1 $0x5F5E00  }
0x1c: {  	s12 =	ssub.s32 @!p0 s13, s12  }
0x1d: {  	s12 =	sadd.s32 @!p0 $0xFFA0A200, s12  }
0x1e: {  	s13 =	sshll.u32 @!p0 s12, $0x4  }
0x1f: {  	p1 =	sgt.s32 @!p0 s12, $0x7F;
	s12 =	ssub.s32 @!p0 $0x800, s13  }
0x20: {  	s14 =	sadd.s32 $0x1000, s9;
	p1 =	por !p1, p0;
	s12 =	sshrl.u32 @!p0 s12, $0x2  }
0x21: {  	s12 =	simm.s32 @!p1 $0x0;
	p1 =	sgt.s32 s14, $0x5F5E0F  }
0x22: {  	s14 =	smov.u32 @p1 s3;
	p1 =	sne.s32 s11, s7  }
.Ltmp1:
0x23: {  	_ = 	snop;
	(pc) =	sbr.rel @!p1 .LBB1_8-.Ltmp1, $4  }
0x24: {  	s13 =	simm.s32 @!p0 $0x2  }
0x25: {  	_ =	swait.ge @!p0 [sflag:s13], s12;
	s15 =	ssub.s32 @!p0 $0x0, s12  }
0x26: {  	s12 =	smov.u32 s10;
	s11 =	sadd.s32 $0x1, s11;
	[sflag:s13] =	ssyncset.done @!p0 $0x0  }
0x27: {  	s10 =	smov.u32 s9;
	s9 =	smov.u32 s14;
	[sflag:s13] =	ssyncadd.s32 @!p0 s15  }
.LBB1_1:
0x28: {  	p0 =	sgt.u32 s11, s6  }
0x29: {  	s14 =	smov.u32 s9;
	p1 =	sgt.s32 @!p0 s9, $0x5F5D90  }
0x2a: {  	s13 =	sand.u32 @!p0 $0x1FFFFFF, s9;
	s15 =	sshra.s32 @!p0 s9, $0x1F;
	p1 =	por !p1, p0  }
0x2b: {  	s16 =	smulhi.u32 @!p0 $0x2AF31DD, s13;
	s15 =	sand.u32 @!p0 s15, s9;
	s14 =	simm.s32 @p1 $0x5F5D90  }
0x2c: {  	s14 =	ssub.s32 @!p0 s14, s15  }
0x2d: {  	s15 =	sshrl.u32 @!p0 s16, $0x10;
	s14 =	sadd.s32 @!p0 $0xFFA0A270, s14  }
0x2e: {  	s16 =	sxor.u32 @!p0 $0xFFFFFFFF, s11;
	s15 =	smul.u32 @!p0 $0x5F5E10, s15;
	s17 =	sshll.u32 @!p0 s14, $0x7  }
0x2f: {  	s16 =	sshll.u32 @!p0 s16, $0xC;
	p1 =	sgt.s32 @!p0 s14, $0x7F;
	s14 =	ssub.s32 @!p0 $0x4000, s17  }
0x30: {  	s13 =	ssub.s32 @!p0 s13, s15;
	p1 =	por !p1, p0;
	s15 =	sand.u32 @!p0 $0x1000, s16  }
0x31: {  	s16 =	simm.s32 @!p0 $0x20;
	s14 =	sshrl.u32 @!p0 s14, $0x2;
	s13 =	sshll.u32 @!p0 s13, $0x4  }
0x32: {  	s17 =	simm.s32 @!p0 $0x80;
	s14 =	simm.s32 @!p1 $0x0;
	s13 =	sadd.s32 @!p0 s2, s13  }
0x33: {  	[tilespmem:s15], [sflag:$0x1] =	stream.strided.gather @!p0 [hbm4b:s13+s16], s14, s17, s16, $0x38;
	[tilespmem:$0x4040] =	vst v63  }
0x34: {  	p0 =	seq.s32 s11, $0x0  }
0x35: {  	p1 =	sge.u32 @!p0 s11, s7  }
0x36: {  	p0 =	por p0, p1  }
.Ltmp2:
0x37: {  	_ = 	snop;
	(pc) =	sbr.rel @p0 .LBB1_7-.Ltmp2, $1  }
0x38: {  	_ =	sdelay $0x3  }
0x39: {  	s13 =	ssub.s32 $0x0, s10  }
0x3a: {  	s14 =	sshra.s32 s10, $0x1F;
	p0 =	sgt.s32 s10, $0x5F5D90;
	s15 =	smov.u32 s10  }
0x3b: {  	s13 =	sand.u32 s13, s14;
	s15 =	simm.s32 @!p0 $0x5F5D90  }
0x3c: {  	s14 =	sadd.s32 s13, s15  }
0x3d: {  	s17 =	sadd.s32 $0x80, s10;
	s14 =	sadd.s32 $0xFFA0A270, s14  }
0x3e: {  	p1 =	slt.s32 s17, $0x5F5E10;
	s31 =	sshll.u32 s14, $0x7  }
0x3f: {  	s17 =	simm.s32 @!p1 $0x5F5E10;
	s15 =	ssub.s32 $0x4000, s31  }
0x40: {  	p0 =	sgt.s32 s14, $0x7F;
	s14 =	sshrl.u32 s15, $0x2;
	s15 =	ssub.s32 s17, s10  }
0x41: {  	s14 =	simm.s32 @p0 $0x0;
	p0 =	slt.s32 s15, $0x1  }
.Ltmp3:
0x42: {  	_ = 	snop;
	(pc) =	sbr.rel @p0 .LBB1_6-.Ltmp3, $4  }
0x43: {  	s16 =	sand.u32 $0x1, s11  }
0x44: {  	s18 =	smul.u32 $0x1020, s16;
	_ =	swait.ge [sflag:s5], s14  }
0x45: {  	s14 =	ssub.s32 $0x0, s14;
	[sflag:s5] =	ssyncset.done $0x0  }
0x46: {  	[sflag:s5] =	ssyncadd.s32 s14;
	s14 =	sor.u32 $0x2000, s18  }
0x47: {  	s16 =	sshll.u32 s16, $0xC  }
0x48: {  	v0 =	vmov s16;
	_ =	sdelay $0x1  }
0x49: {  	s17 =	simm.s32 $0x0  }
0x4a: {  	s31 =	simm.s32 $0x0;
	s30 =	sand.u32 $0x1C, s17  }
0x4b: {  	p0 =	sne.s32 s15, $0x1;
	s18 =	sand.u32 $0xFE0, s31;
	s16 =	smul.u32 $0x204, s30  }
.Ltmp4:
0x4c: {  	v1 =	vld.idx.msk [tilespmem:v0+s18+$0x0 ss:$0x1], $0xffff;
	(pc) =	sbr.rel @!p0 .LBB1_5-.Ltmp4, $4  }
0x4d: {  	_ = 	snop  }
0x4e: {  	s16 =	sshrl.u32 s16, $0x2  }
0x4f: {  	s17 =	sand.u32 $0x7F, s31;
	s19 =	sadd.s32 s16, s14  }
0x50: {  	s16 =	simm.s32 $0x1;
	s18 =	sadd.s32 s17, s19;
	s17 =	simm.s32 $0x20  }
.LBB1_4:
0x51: {  	s19 =	sand.u32 $0xFE0, s17  }
0x52: {  	s20 =	sshrl.u32 s16, $0x5;
	[tilespmem:s18+$0x0 ss:$0x81] =	vst.msk $0xffff, v1;
	s18 =	smov.u32 s16;
	s16 =	sadd.s32 $0x1, s16  }
0x53: {  	v1 =	vld.idx.msk [tilespmem:v0+s19+$0x0 ss:$0x1], $0xffff;
	s19 =	sand.u32 $0x1C, s20  }
0x54: {  	p0 =	sne.s32 s15, s16;
	s19 =	smul.u32 $0x204, s19  }
.Ltmp5:
0x55: {  	(pc) =	sbr.rel @p0 .LBB1_4-.Ltmp5, $4  }
0x56: {  	_ = 	snop  }
0x57: {  	s19 =	sshrl.u32 s19, $0x2  }
0x58: {  	s18 =	sand.u32 $0x7F, s18;
	s19 =	sadd.s32 s19, s14  }
0x59: {  	s17 =	sadd.s32 $0x20, s17;
	s18 =	sadd.s32 s18, s19  }
.Ltmp6:
0x5a: {  	_ = 	snop;
	(pc) =	sbr.rel .LBB1_5-.Ltmp6, $1  }
0x5b: {  	_ =	sdelay $0x3  }
.LBB1_8:
0x5c: {  	_ =	sfence.sel $0x180000  }
0x5d: {  	s2 =	simm.s32 $0x1;
	[bflag:$0x0] =	sbarrier.arrive $0xFFFF  }
0x5e: {  	s31 =	simm.s32 $0x2;
	[sflag:s2] =	ssyncpa.u1 $0x1  }
0x5f: {  	[sflag:s31] =	ssyncpa.u1 $0x1  }
0x60: {  	p0 =	sne.s32 s1, $0x0;
	_ =	strace $0x9000004A  }
0x61: {  	s0 =	sadd.s32 @!p0 $0x100000, s0;
	[bflag:$0x2] =	sbarrier.arrive $0xFFFF  }
0x62: {  	[sflag:s0] =	ssyncadd.tile.s32 @!p0 $0x1;
	_ =	shalt  }
.Lfunc_end1:
_tile_overlayer_lowered:
.L_overlay_start_2:
0x63: {  	(tag) =	ssettag $0x2  }
0x64: {  	s0 =	rddreg [dreg:$0x0];
	s2 =	stileid.u32  }
0x65: {  	s1 =	rddreg [dreg:$0x1];
	p0 =	sne.s32 s2, $0x0  }
0x66: {  	s3 =	rddreg [dreg:$0x2];
	[bflag:$0x3] =	sbarrier.arrive $0xFFFF;
	s2 =	simm.s32 @!p0 $0x1C01  }
0x67: {  	[timem:s3], [sflag:s2] =	dma.local @!p0 [hbm:s0], s1  }
0x68: {  	s0 =	simm.s32 @!p0 $0x1  }
0x69: {  	_ =	swait.ge @!p0 [sflag:s0], s1  }
0x6a: {  	s1 =	ssub.s32 @!p0 $0x0, s1;
	[sflag:s0] =	ssyncset.done @!p0 $0x0  }
0x6b: {  	[sflag:s0] =	ssyncadd.s32 @!p0 s1  }
0x6c: {  	[bflag:$0x3] =	sbarrier.arrive $0xFFFF  }
0x6d: {  	_ =	shalt  }

// kernel: sparse-core-data-format-call.cloned.1.call-start
scs
called_computation_lowered:
.L_overlay_start_0:
0x0: {  	s2 =	sld [smem:$0x3FD9]  }
0x1: {  	s3 =	sld [smem:$0x3FFE];
	_ =	sdelay $0x1  }
0x2: {  	s1 =	srdreg.scid  }
0x3: {  	s0 =	sand.u32 $0x1, s1  }
0x4: {  	s15 =	sshll.u32 s0, $0xA;
	s2 =	sadd.s32 s3, s2  }
0x5: {  	s2 =	sadd.s32 s2, s15  }
0x6: {  	[smem:$0x3FC5] =	sst s2  }
0x7: {  	_ = 	snop  }
0x8: {  	s2 =	sld [smem:$0x3FD0];
	_ =	sdelay $0x2  }
0x9: {  	s16 =	simm.s32 $0xA;
	s4 =	simm.s32 $0x10  }
0xa: {  	[smem:s4], [sflag:s16] =	dma.local [hbm:s2], $0x1  }
0xb: {  	_ =	swait.eq [sflag:s16], $0x1  }
0xc: {  	[sflag:s16] =	ssyncset.done $0x0  }
0xd: {  	[sflag:s16] =	ssyncadd.s32 $0xFFFFFFFF  }
0xe: {  	s17 =	sld [smem:$0x10];
	(tm) =	ssettm $0x1  }
0xf: {  	s18 =	sld [smem:$0x3FFB];
	_ =	sdelay $0x3  }
0x10: {  	_ =	strace s18  }
0x11: {  	s3 =	sld [smem:$0x3FFC];
	_ =	sdelay $0x3  }
0x12: {  	_ =	strace s3  }
0x13: {  	s3 =	sld [smem:$0x3FFD];
	_ =	sdelay $0x3  }
0x14: {  	_ =	strace s3  }
0x15: {  	_ =	strace $0x8FFFFFFF  }
0x16: {  	s19 =	sld [smem:$0x3FDB];
	_ =	sdelay $0x1  }
0x17: {  	s20 =	simm.s32 $_scs_section_size  }
0x18: {  	s5 =	simm.s32 $_size__tile_overlayer_lowered;
	s6 =	simm.s32 $_tile_overlayer_lowered  }
0x19: {  	s23 =	simm.s32 $0x1BFF;
	s22 =	sshll.u32 s6, $0x1;
	s3 =	sadd.s32 s20, s19  }
0x1a: {  	s7 =	simm.s32 $0x0;
	s21 =	sshll.u32 s5, $0x1;
	s5 =	sadd.s32 s22, s3  }
0x1b: {  	[timem:s7], [sflag:s23] =	dma.local [hbm:s5], s21  }
0x1c: {  	_ =	swait.ge [sflag:s23], s21  }
0x1d: {  	s4 =	ssub.s32 $0x0, s21;
	[sflag:s23] =	ssyncset.done $0x0  }
0x1e: {  	[sflag:s23] =	ssyncadd.s32 s4;
	_ =	sdelay $0x1  }
0x1f: {  	s24 =	simm.s32 $0x1B8B  }
0x20: {  	_ =	swait.ge [sflag:s24], $0x1  }
0x21: {  	[sflag:s24] =	ssyncset.done $0x0  }
0x22: {  	s26 =	simm.s32 $0x1B8E;
	s25 =	sld [smem:$0x3FFE];
	[sflag:s24] =	ssyncadd.s32 $0xFFFFFFFF  }
0x23: {  	s27 =	simm.s32 $execute0_lowered;
	[smem:$0x3FD2] =	sst s26  }
0x24: {  	s5 =	sshll.u32 s27, $0x1;
	_ =	strace $0x8000004C;
	[dreg:$0x1] =	wrdreg $0xFFFFFFFF  }
0x25: {  	s28 =	simm.s32 $_size_execute0_lowered;
	s3 =	sadd.s32 s3, s5;
	[dreg:$0x0] =	wrdreg $0x0  }
0x26: {  	s5 =	sshll.u32 s28, $0x1;
	[dreg:$0x2] =	wrdreg s3  }
0x27: {  	[dreg:$0x3] =	wrdreg s5  }
0x28: {  	[dreg:$0x4] =	wrdreg $0xC0  }
0x29: {  	_ =	task [dreg:s7], $0x5FFFF  }
0x2a: {  	[dreg:$0x1] =	wrdreg $0xFFFFFFFF  }
0x2b: {  	[dreg:$0x0] =	wrdreg $0x60  }
0x2c: {  	[dreg:$0x2] =	wrdreg s25  }
0x2d: {  	[dreg:$0x3] =	wrdreg s17  }
0x2e: {  	[dreg:$0x4] =	wrdreg $0x9  }
0x2f: {  	_ =	task.clear_ibuf [dreg:s7], $0x5FFFF;
	_ =	strace $0x9000004C  }
0x30: {  	s29 =	simm.s32 $0x9;
	_ =	strace $0x8000004E  }
0x31: {  	_ =	swait.ge [sflag:s29], $0x1  }
0x32: {  	[sflag:s29] =	ssyncadd.s32 $0xFFFFFFFF  }
0x33: {  	_ =	strace $0x9000004E  }
0x34: {  	_ =	sfence  }
0x35: {  	s30 =	sld [smem:$0x0];
	_ =	sdelay $0x2  }
0x36: {  	s31 =	sshll.u32 s1, $0xD;
	s1 =	sshrl.u32 s1, $0x2  }
0x37: {  	s3 =	sand.u32 $0x4000, s31;
	s1 =	sadd.s32 s1, s30  }
0x38: {  	s0 =	sor.u32 s3, s0;
	s1 =	sshll.u32 s1, $0x11  }
0x39: {  	s0 =	sor.u32 s1, s0  }
0x3a: {  	s0 =	sadd.s32 $0x8F2B, s0  }
0x3b: {  	[sflag:s0] =	ssyncadd.remote.s32 $0x1  }
0x3c: {  	_ =	sfence.sel $0xFFFF  }
0x3d: {  	[dreg:$0x0] =	wrdreg $0xFFFFFFFF;
	(pc) =	sbr.abs _section_cstart, $3  }
0x3e: {  	[dreg:$0x1] =	wrdreg $0xFFFFFFFF  }
0x3f: {  	_ =	task.clear_ibuf [dreg:s7], $0x2FFFF;
	_ =	strace $0x9FFFFFFF  }
0x40: {  	(tm) =	ssettm $0x7FFFFFFF  }
0x41: {  	_ =	shalt  }
tec
execute0_lowered:
.L_overlay_start_1:
0x0: {  	(tag) =	ssettag $0x1  }
0x1: {  	s0 =	rddreg [dreg:$0x0]  }
0x2: {  	s1 =	srdreg.scid;
	_ =	strace $0x8000004D;
	s2 =	stileid.u32  }
0x3: {  	s30 =	simm.s32 $0x1;
	s31 =	simm.s32 $0x2;
	s22 =	simm.s32 $0x0  }
0x4: {  	s20 =	simm.s32 $0x0;
	s21 =	simm.s32 $0x0;
	s19 =	simm.s32 $0x0  }
0x5: {  	s9 =	simm.s32 $0x0;
	s10 =	simm.s32 $0x0;
	s18 =	simm.s32 $0x0  }
0x6: {  	s14 =	simm.s32 $0x0;
	s13 =	simm.s32 $0x0;
	s15 =	simm.s32 $0x0  }
.Ltmp0:
0x7: {  	s11 =	simm.s32 $0x0;
	s1 =	sshll.u32 s1, $0x4;
	(pc) =	sbr.rel .LBB1_1-.Ltmp0, $4  }
0x8: {  	s0 =	sadd.s32 $0x6555600, s0;
	s8 =	sand.u32 $0x3, s2;
	s1 =	sand.u32 $0x10, s1  }
0x9: {  	[sflag:s30] =	ssyncpa.u1 $0x0;
	[dreg:$0x3] =	wrdreg s0;
	s29 =	sor.u32 s2, s1  }
0xa: {  	[sflag:s31] =	ssyncpa.u1 $0x0;
	[dreg:$0x4] =	wrdreg s8;
	s12 =	sshrl.u32 s29, $0x2  }
0xb: {  	s17 =	smov.u32 s8;
	s16 =	smov.u32 s12;
	[dreg:$0x5] =	wrdreg s12  }
.LBB1_18:
0xc: {  	s0 =	sshrl.u32 s14, $0x2  }
0xd: {  	s1 =	sshll.u32 s9, $0x2;
	s2 =	sshll.u32 s14, $0x7;
	s4 =	rddreg [dreg:$0x9]  }
0xe: {  	s18 =	sand.u32 $0x7F, s9;
	s22 =	rddreg [dreg:$0x8];
	s0 =	smul.u32 $0xA00, s0  }
0xf: {  	p0 =	sgt.s32 s10, $0x1F1;
	s23 =	rddreg [dreg:$0xa];
	s1 =	sand.u32 $0xFFFFFE00, s1  }
0x10: {  	s5 =	smul.u32 $0x140, s10;
	s12 =	sand.u32 $0x180, s2;
	s0 =	sadd.s32 s0, s1  }
0x11: {  	s26 =	rddreg [dreg:$0x1];
	s1 =	smov.u32 s10;
	s0 =	sor.u32 s12, s0  }
0x12: {  	s1 =	simm.s32 @!p0 $0x1F1;
	s2 =	sor.u32 s18, s0;
	s0 =	smulhi.u32 $0xCCCCCCCD, s0  }
0x13: {  	s29 =	sor.u32 $0x8000, s25;
	s1 =	sadd.s32 s4, s1;
	s3 =	smulhi.u32 $0xCCCCCCCD, s2  }
0x14: {  	s18 =	rddreg [dreg:$0x6];
	s4 =	sadd.s32 $0xFFFFFE0F, s1;
	s1 =	ssub.s32 $0x271, s1  }
0x15: {  	s24 =	smul.u32 $0x30D40, s18;
	p0 =	sgt.s32 s4, $0x7F;
	s3 =	sshrl.u32 s3, $0x9  }
0x16: {  	s0 =	sshrl.u32 s0, $0x9;
	s1 =	simm.s32 @p0 $0x0;
	s3 =	smul.u32 $0x280, s3  }
0x17: {  	s8 =	rddreg [dreg:$0x4];
	s0 =	sand.u32 $0x3, s0;
	s1 =	smul.u32 s1, s22  }
0x18: {  	s31 =	simm.s32 $0xA00;
	s12 =	rddreg [dreg:$0x5];
	s0 =	smul.u32 $0x50, s0  }
0x19: {  	s22 =	rddreg [dreg:$0x7];
	s2 =	ssub.s32 s2, s3;
	s3 =	sadd.s32 s26, s24  }
0x1a: {  	s1 =	smul.u32 s23, s1;
	s3 =	sadd.s32 s5, s3;
	s27 =	sand.u32 $0x7, s2  }
0x1b: {  	s2 =	sshrl.u32 s2, $0x3;
	s0 =	sadd.s32 s0, s3;
	s28 =	sshll.u32 s27, $0x12  }
0x1c: {  	s1 =	sand.u32 $0x3FFFFFFF, s1;
	s0 =	sadd.s32 s2, s0;
	s30 =	sor.u32 $0x80, s28  }
0x1d: {  	[hbm4b:s0+s30] =	stream.strided.scatter [tilespmem:s29], [sflag:$0x2], s1, s31, s30, $0x38;
	[tilespmem:$0x10000] =	vst v63  }
.LBB1_19:
0x1e: {  	p0 =	slt.u32 s11, $0x2  }
0x1f: {  	s0 =	smov.u32 s21;
	s5 =	smov.u32 s15;
	p1 =	sgt.s32 @!p0 s21, $0xF  }
0x20: {  	s11 =	sadd.s32 $0x1, s11;
	s1 =	sshra.s32 @!p0 s21, $0x1F;
	p1 =	por !p1, p0  }
0x21: {  	p2 =	sgt.s32 @!p0 s20, $0x1F1;
	s1 =	sand.u32 @!p0 s1, s21;
	s0 =	simm.s32 @p1 $0xF  }
0x22: {  	s2 =	sshra.s32 @!p0 s20, $0x1F;
	s3 =	sshra.s32 @!p0 s19, $0x1F;
	s0 =	ssub.s32 @!p0 s0, s1  }
0x23: {  	p2 =	por !p2, p0;
	s2 =	sand.u32 @!p0 s2, s20;
	s1 =	sadd.s32 @!p0 $0xFFFFFFF1, s0  }
0x24: {  	s3 =	sand.u32 @!p0 s3, s19;
	p1 =	sgt.s32 @!p0 s1, $0x0;
	s1 =	smov.u32 s20  }
0x25: {  	s21 =	smov.u32 s18;
	s0 =	ssub.s32 @!p0 $0x10, s0;
	s1 =	simm.s32 @p2 $0x1F1  }
0x26: {  	p1 =	por !p1, p0;
	p2 =	sgt.s32 @!p0 s19, $0x3;
	s1 =	ssub.s32 @!p0 s1, s2  }
0x27: {  	p2 =	por !p2, p0;
	s2 =	smov.u32 s19;
	s0 =	simm.s32 @!p1 $0x0  }
0x28: {  	p1 =	sgt.s32 @!p0 s22, $0x200;
	s2 =	simm.s32 @p2 $0x3;
	s4 =	sadd.s32 @!p0 $0xFFFFFE0F, s1  }
0x29: {  	p1 =	por !p1, p0;
	s1 =	ssub.s32 @!p0 $0x271, s1;
	s2 =	ssub.s32 @!p0 s2, s3  }
0x2a: {  	p2 =	sgt.s32 @!p0 s4, $0x7F;
	s4 =	smov.u32 s22;
	s3 =	sadd.s32 @!p0 $0xFFFFFFFD, s2  }
0x2b: {  	s4 =	simm.s32 @p1 $0x200;
	p1 =	sgt.s32 @!p0 s3, $0x0;
	s3 =	sshra.s32 @!p0 s22, $0x1F  }
0x2c: {  	s2 =	ssub.s32 @!p0 $0x4, s2;
	s3 =	sand.u32 @!p0 s3, s22;
	p1 =	por !p1, p0  }
0x2d: {  	p2 =	por !p2, p0;
	s3 =	ssub.s32 @!p0 s4, s3;
	s2 =	simm.s32 @!p1 $0x0  }
0x2e: {  	s1 =	simm.s32 @!p2 $0x0;
	s4 =	sadd.s32 @!p0 $0xFFFFFE00, s3;
	s0 =	smul.u32 @!p0 s2, s0  }
0x2f: {  	s2 =	sadd.s32 $0x80, s13;
	s3 =	ssub.s32 @!p0 $0x280, s3;
	p1 =	sgt.s32 @!p0 s4, $0x7F  }
0x30: {  	p2 =	sgt.s32 s2, $0x270;
	s4 =	sadd.s32 $0x80, s15;
	p1 =	por !p1, p0  }
0x31: {  	s0 =	smul.u32 @!p0 s1, s0;
	s5 =	smov.u32 @p2 s4;
	s1 =	sadd.s32 $0x8, s16  }
0x32: {  	s4 =	smov.u32 s16;
	s3 =	simm.s32 @!p1 $0x0;
	p1 =	sgt.s32 s5, $0x270  }
0x33: {  	s2 =	simm.s32 @p2 $0x0;
	s0 =	smul.u32 @!p0 s3, s0;
	s4 =	smov.u32 @p1 s1  }
0x34: {  	s1 =	sadd.s32 $0x4, s17;
	s3 =	smov.u32 s17;
	p2 =	sgt.s32 s4, $0xF  }
0x35: {  	s18 =	smov.u32 s16;
	s20 =	smov.u32 s10;
	s3 =	smov.u32 @p2 s1  }
0x36: {  	s10 =	smov.u32 s15;
	s5 =	simm.s32 @p1 $0x0;
	p1 =	sgt.s32 s3, $0x3  }
0x37: {  	s19 =	smov.u32 s14;
	s3 =	smov.u32 @p1 s8;
	p1 =	sne.s32 s11, $0x34  }
.Ltmp1:
0x38: {  	s14 =	smov.u32 s17;
	s22 =	smov.u32 s9;
	(pc) =	sbr.rel @!p1 .LBB1_20-.Ltmp1, $4  }
0x39: {  	s9 =	smov.u32 s13;
	s0 =	sand.u32 @!p0 $0x3FFFFFFF, s0;
	s1 =	simm.s32 @!p0 $0x2  }
0x3a: {  	s13 =	smov.u32 s2;
	s15 =	smov.u32 s5;
	_ =	swait.ge @!p0 [sflag:s1], s0  }
0x3b: {  	s4 =	smov.u32 @p2 s12;
	s0 =	ssub.s32 @!p0 $0x0, s0;
	[sflag:s1] =	ssyncset.done @!p0 $0x0  }
0x3c: {  	s16 =	smov.u32 s4;
	[sflag:s1] =	ssyncadd.s32 @!p0 s0;
	s17 =	smov.u32 s3  }
.LBB1_1:
0x3d: {  	p0 =	sgt.u32 s11, $0x31  }
.Ltmp2:
0x3e: {  	_ = 	snop;
	(pc) =	sbr.rel @p0 .LBB1_3-.Ltmp2, $1  }
0x3f: {  	_ =	sdelay $0x3  }
0x40: {  	s0 =	sshrl.u32 s15, $0x3  }
0x41: {  	s1 =	sshll.u32 s13, $0x3;
	s0 =	smul.u32 $0x1400, s0  }
0x42: {  	s2 =	sshll.u32 s15, $0x7;
	s1 =	sand.u32 $0xFFFFFC00, s1  }
0x43: {  	s24 =	sand.u32 $0x380, s2;
	s0 =	sadd.s32 s0, s1  }
0x44: {  	s25 =	sand.u32 $0x7F, s13;
	p0 =	sgt.s32 s17, $0x3;
	s0 =	sor.u32 s24, s0  }
0x45: {  	s3 =	smov.u32 s17;
	s4 =	sshra.s32 s17, $0x1F;
	s1 =	sor.u32 s25, s0  }
0x46: {  	s5 =	sxor.u32 $0xFFFFFFFF, s11;
	s28 =	sshra.s32 s16, $0x1F;
	s2 =	smulhi.u32 $0xCCCCCCCD, s1  }
0x47: {  	s6 =	sshra.s32 s15, $0x1F;
	s3 =	simm.s32 @!p0 $0x3;
	s4 =	sand.u32 s4, s17  }
0x48: {  	s31 =	sshra.s32 s13, $0x1F;
	s3 =	ssub.s32 s3, s4;
	s2 =	sshrl.u32 s2, $0x9  }
0x49: {  	s26 =	sshll.u32 s5, $0xE;
	s27 =	sadd.s32 $0xFFFFFFFD, s3;
	s2 =	smul.u32 $0x280, s2  }
0x4a: {  	s5 =	sand.u32 s28, s16;
	s6 =	sand.u32 s6, s15;
	p0 =	sgt.s32 s27, $0x0  }
0x4b: {  	s0 =	smulhi.u32 $0xCCCCCCCD, s0;
	s1 =	ssub.s32 s1, s2;
	s2 =	ssub.s32 $0x4, s3  }
0x4c: {  	s3 =	smov.u32 s16;
	s2 =	simm.s32 @p0 $0x0;
	p0 =	sgt.s32 s16, $0xF  }
0x4d: {  	s24 =	smul.u32 $0xC5800, s17;
	s0 =	sshrl.u32 s0, $0x9;
	s3 =	simm.s32 @!p0 $0xF  }
0x4e: {  	p0 =	sgt.s32 s15, $0x1F8;
	s3 =	ssub.s32 s3, s5;
	s5 =	smov.u32 s15  }
0x4f: {  	s29 =	smulhi.u32 $0x67B23B, s0;
	s7 =	sadd.s32 $0xFFFFFFF1, s3;
	s5 =	simm.s32 @!p0 $0x1F8  }
0x50: {  	s3 =	ssub.s32 $0x10, s3;
	p0 =	sgt.s32 s7, $0x0;
	s5 =	ssub.s32 s5, s6  }
0x51: {  	s6 =	smul.u32 $0x278, s29;
	s3 =	simm.s32 @p0 $0x0;
	s30 =	sadd.s32 $0xFFFFFE08, s5  }
0x52: {  	s2 =	smul.u32 s2, s3;
	p0 =	sgt.s32 s30, $0x7F;
	s3 =	ssub.s32 $0x278, s5  }
0x53: {  	s5 =	smov.u32 s13;
	s3 =	simm.s32 @p0 $0x0;
	p0 =	sgt.s32 s13, $0x200  }
0x54: {  	s25 =	smul.u32 $0xC580, s16;
	s7 =	sand.u32 s31, s13;
	s5 =	simm.s32 @!p0 $0x200  }
0x55: {  	s28 =	sand.u32 $0x7, s1;
	s0 =	ssub.s32 s0, s6;
	s23 =	ssub.s32 s5, s7  }
0x56: {  	s2 =	smul.u32 s3, s2;
	s3 =	sand.u32 $0x4000, s26;
	s5 =	sadd.s32 $0xFFFFFE00, s23  }
0x57: {  	s26 =	rddreg [dreg:$0x3];
	s4 =	ssub.s32 $0x280, s23;
	p0 =	sgt.s32 s5, $0x7F  }
0x58: {  	s0 =	smul.u32 $0x50, s0;
	s6 =	sadd.s32 s26, s24;
	s4 =	simm.s32 @p0 $0x0  }
0x59: {  	s1 =	sshrl.u32 s1, $0x3;
	s27 =	sadd.s32 s25, s6;
	s2 =	smul.u32 s4, s2  }
0x5a: {  	s29 =	sshll.u32 s28, $0x12;
	s31 =	simm.s32 $0x1400;
	s0 =	sadd.s32 s0, s27  }
0x5b: {  	s30 =	sor.u32 $0x400, s29;
	s0 =	sadd.s32 s1, s0;
	s2 =	sand.u32 $0x3FFFFFFF, s2  }
0x5c: {  	[tilespmem:s3], [sflag:$0x1] =	stream.strided.gather [hbm4b:s0+s30], s2, s31, s30, $0x38;
	[tilespmem:$0x10000] =	vst v63  }
.LBB1_3:
0x5d: {  	p0 =	seq.s32 s11, $0x0  }
0x5e: {  	p1 =	seq.s32 @!p0 s11, $0x33  }
0x5f: {  	p0 =	por p0, p1  }
.Ltmp3:
0x60: {  	_ = 	snop;
	(pc) =	sbr.rel @p0 .LBB1_19-.Ltmp3, $1  }
0x61: {  	_ =	sdelay $0x3  }
0x62: {  	[dreg:$0x7] =	wrdreg s22;
	p0 =	sgt.s32 s14, $0x3  }
0x63: {  	s0 =	smov.u32 s14;
	s1 =	sshra.s32 s14, $0x1F;
	s2 =	smov.u32 s18  }
0x64: {  	s3 =	sshra.s32 s18, $0x1F;
	s8 =	ssub.s32 $0x0, s10;
	s12 =	sshra.s32 s10, $0x1F  }
0x65: {  	p2 =	sgt.s32 s10, $0x1F8;
	s4 =	smov.u32 s10;
	s24 =	sshra.s32 s9, $0x1F  }
0x66: {  	s0 =	simm.s32 @!p0 $0x3;
	p0 =	sgt.s32 s18, $0xF;
	s1 =	sand.u32 s1, s14  }
0x67: {  	s3 =	sand.u32 s3, s18;
	s2 =	simm.s32 @!p0 $0xF;
	s0 =	ssub.s32 s0, s1  }
0x68: {  	s4 =	simm.s32 @!p2 $0x1F8;
	s6 =	ssub.s32 s2, s3;
	s7 =	sadd.s32 $0xFFFFFFFD, s0  }
0x69: {  	s0 =	ssub.s32 $0x4, s0;
	s2 =	sand.u32 s8, s12;
	s3 =	sadd.s32 $0xFFFFFFF1, s6  }
0x6a: {  	p0 =	sgt.s32 s7, $0x0;
	s1 =	ssub.s32 $0x10, s6;
	[dreg:$0x9] =	wrdreg s2  }
0x6b: {  	s2 =	sadd.s32 s2, s4;
	p1 =	sgt.s32 s3, $0x0;
	s0 =	simm.s32 @p0 $0x0  }
0x6c: {  	s23 =	sadd.s32 $0xFFFFFE08, s2;
	s2 =	ssub.s32 $0x278, s2;
	s1 =	simm.s32 @p1 $0x0  }
0x6d: {  	p1 =	sgt.s32 s9, $0x200;
	s22 =	smul.u32 s0, s1;
	s0 =	smov.u32 s9  }
0x6e: {  	p0 =	sgt.s32 s23, $0x7F;
	s1 =	sand.u32 s24, s9;
	s0 =	simm.s32 @!p1 $0x200  }
0x6f: {  	s2 =	simm.s32 @p0 $0x0;
	s0 =	ssub.s32 s0, s1  }
0x70: {  	s25 =	smul.u32 s2, s22;
	s26 =	sadd.s32 $0xFFFFFE00, s0  }
0x71: {  	s3 =	ssub.s32 $0x280, s0;
	s0 =	sadd.s32 $0x1, s14;
	p0 =	sgt.s32 s26, $0x7F  }
0x72: {  	s2 =	sadd.s32 $0x1, s18;
	s3 =	simm.s32 @p0 $0x0;
	p0 =	slt.s32 s0, $0x4  }
0x73: {  	s0 =	simm.s32 @!p0 $0x4;
	p0 =	slt.s32 s2, $0x10  }
0x74: {  	s26 =	ssub.s32 s0, s14;
	s2 =	simm.s32 @!p0 $0x10;
	s0 =	sadd.s32 $0x80, s10  }
0x75: {  	s27 =	ssub.s32 s2, s18;
	p1 =	slt.s32 s0, $0x271;
	p0 =	slt.s32 s26, $0x1  }
0x76: {  	s0 =	simm.s32 @!p1 $0x271;
	p1 =	slt.s32 @!p0 s27, $0x1  }
0x77: {  	s28 =	ssub.s32 s0, s10;
	p1 =	por p0, p1  }
0x78: {  	p2 =	slt.s32 @!p1 s28, $0x1  }
0x79: {  	[dreg:$0x6] =	wrdreg s18;
	s1 =	smul.u32 s3, s25;
	p1 =	por p1, p2  }
.Ltmp4:
0x7a: {  	[dreg:$0x8] =	wrdreg s22;
	(pc) =	sbr.rel @p1 .LBB1_18-.Ltmp4, $4  }
0x7b: {  	s30 =	simm.s32 $0x1;
	[dreg:$0xa] =	wrdreg s3;
	s1 =	sand.u32 $0x3FFFFFFF, s1  }
0x7c: {  	_ =	swait.ge [sflag:s30], s1  }
0x7d: {  	s31 =	sshll.u32 s11, $0xE;
	s29 =	ssub.s32 $0x0, s1;
	[sflag:s30] =	ssyncset.done $0x0  }
0x7e: {  	s25 =	sand.u32 $0x4000, s31;
	[sflag:s30] =	ssyncadd.s32 s29  }
0x7f: {  	s0 =	sadd.s32 $0x80, s9  }
0x80: {  	p1 =	slt.s32 s0, $0x271  }
.Ltmp5:
0x81: {  	s0 =	simm.s32 @!p1 $0x271;
	(pc) =	sbr.rel .LBB1_6-.Ltmp5, $4  }
0x82: {  	s0 =	ssub.s32 s0, s9  }
0x83: {  	s31 =	sor.u32 @!p0 $0x8000, s25;
	s1 =	simm.s32 $0x0;
	s2 =	sadd.s32 $0xF, s0  }
0x84: {  	s29 =	sand.u32 $0xFFFFFFF0, s2;
	s0 =	sshll.u32 s2, $0x3;
	s30 =	sand.u32 @!p0 $0xFFFFFF00, s2  }
0x85: {  	p0 =	slt.s32 s2, $0x100;
	s0 =	sand.u32 $0xFFFFF800, s0;
	p1 =	sge.s32 s30, s29  }
.LBB1_17:
0x86: {  	s1 =	sadd.s32 $0x1, s1  }
0x87: {  	p2 =	sne.s32 s1, s26  }
.Ltmp6:
0x88: {  	_ = 	snop;
	(pc) =	sbr.rel @!p2 .LBB1_18-.Ltmp6, $1  }
0x89: {  	_ =	sdelay $0x3  }
.LBB1_6:
.Ltmp7:
0x8a: {  	(pc) =	sbr.rel .LBB1_7-.Ltmp7, $4  }
0x8b: {  	_ = 	snop  }
0x8c: {  	s2 =	sshll.u32 s1, $0x7  }
0x8d: {  	s2 =	sand.u32 $0x180, s2  }
0x8e: {  	s7 =	simm.s32 $0x0;
	s2 =	sadd.s32 s2, s31  }
.LBB1_16:
0x8f: {  	s7 =	sadd.s32 $0x1, s7  }
0x90: {  	p2 =	sne.s32 s7, s27  }
.Ltmp8:
0x91: {  	_ = 	snop;
	(pc) =	sbr.rel @!p2 .LBB1_17-.Ltmp8, $1  }
0x92: {  	_ =	sdelay $0x3  }
.LBB1_7:
.Ltmp9:
0x93: {  	(pc) =	sbr.rel .LBB1_8-.Ltmp9, $4  }
0x94: {  	s3 =	sadd.s32 s1, s7  }
0x95: {  	s4 =	sshll.u32 s7, $0x10;
	s3 =	sshll.u32 s3, $0x10  }
0x96: {  	s5 =	simm.s32 $0x400;
	s24 =	sshra.s32 s4, $0x2;
	s3 =	sshra.s32 s3, $0x2  }
0x97: {  	s4 =	simm.s32 $0x0;
	s8 =	sadd.s32 s3, s25;
	s3 =	sadd.s32 s24, s2  }
.LBB1_15:
0x98: {  	s4 =	sadd.s32 $0x1, s4  }
0x99: {  	p2 =	sne.s32 s4, s28  }
.Ltmp10:
0x9a: {  	_ = 	snop;
	(pc) =	sbr.rel @!p2 .LBB1_16-.Ltmp10, $2  }
0x9b: {  	_ =	sdelay $0x2  }
0x9c: {  	s5 =	sadd.s32 $0x80, s5  }
.LBB1_8:
.Ltmp11:
0x9d: {  	(pc) =	sbr.rel @p0 .LBB1_12-.Ltmp11, $2  }
0x9e: {  	_ =	sdelay $0x2  }
0x9f: {  	s6 =	sshll.u32 s4, $0x7  }
0xa0: {  	s18 =	sand.u32 $0x380, s6  }
0xa1: {  	s18 =	sadd.s32 s18, s8  }
0xa2: {  	v0 =	vmov s18;
	_ =	sdelay $0x3  }
0xa3: {  	s23 =	sand.u32 $0x3C00, s5  }
0xa4: {  	v7 =	vld.idx.msk [tilespmem:v0+s23+$0x70 ss:$0x1], $0xffff  }
0xa5: {  	p2 =	sgt.s32 s30, $0x100;
	v6 =	vld.idx.msk [tilespmem:v0+s23+$0x0 ss:$0x1], $0xffff  }
.Ltmp12:
0xa6: {  	v1 =	vld.idx.msk [tilespmem:v0+s23+$0x10 ss:$0x1], $0xffff;
	(pc) =	sbr.rel @!p2 .LBB1_11-.Ltmp12, $4  }
0xa7: {  	v2 =	vld.idx.msk [tilespmem:v0+s23+$0x20 ss:$0x1], $0xffff  }
0xa8: {  	v3 =	vld.idx.msk [tilespmem:v0+s23+$0x30 ss:$0x1], $0xffff  }
0xa9: {  	s22 =	sadd.s32 s6, s3;
	v4 =	vld.idx.msk [tilespmem:v0+s23+$0x40 ss:$0x1], $0xffff  }
0xaa: {  	s24 =	simm.s32 $0x100;
	s18 =	sadd.s32 $0x800, s5;
	v5 =	vld.idx.msk [tilespmem:v0+s23+$0x50 ss:$0x1], $0xffff;
	[tilespmem:s22+$0x70] =	vst v7  }
.LBB1_10:
0xab: {  	s24 =	sadd.s32 $0x100, s24;
	[tilespmem:s22+$0x0] =	vst v6;
	v7 =	vld.idx.msk [tilespmem:v0+s23+$0x60 ss:$0x1], $0xffff;
	s23 =	sand.u32 $0x3C00, s18  }
0xac: {  	v8 =	vld.idx.msk [tilespmem:v0+s23+$0x70 ss:$0x1], $0xffff;
	p2 =	slt.s32 s24, s30;
	[tilespmem:s22+$0x10] =	vst v1  }
0xad: {  	v6 =	vld.idx.msk [tilespmem:v0+s23+$0x0 ss:$0x1], $0xffff;
	[tilespmem:s22+$0x20] =	vst v2  }
.Ltmp13:
0xae: {  	v1 =	vld.idx.msk [tilespmem:v0+s23+$0x10 ss:$0x1], $0xffff;
	[tilespmem:s22+$0x30] =	vst v3;
	(pc) =	sbr.rel @p2 .LBB1_10-.Ltmp13, $4  }
0xaf: {  	v2 =	vld.idx.msk [tilespmem:v0+s23+$0x20 ss:$0x1], $0xffff;
	[tilespmem:s22+$0x40] =	vst v4  }
0xb0: {  	v3 =	vld.idx.msk [tilespmem:v0+s23+$0x30 ss:$0x1], $0xffff;
	[tilespmem:s22+$0x50] =	vst v5  }
0xb1: {  	v4 =	vld.idx.msk [tilespmem:v0+s23+$0x40 ss:$0x1], $0xffff;
	[tilespmem:s22+$0x60] =	vst v7  }
0xb2: {  	s18 =	sadd.s32 $0x800, s18;
	v5 =	vld.idx.msk [tilespmem:v0+s23+$0x50 ss:$0x1], $0xffff;
	[tilespmem:s22+$0x70] =	vst v8  }
.LBB1_11:
0xb3: {  	_ =	sdelay $0x2  }
0xb4: {  	[tilespmem:s22+$0x0] =	vst v6  }
0xb5: {  	v0 =	vld.idx.msk [tilespmem:v0+s23+$0x60 ss:$0x1], $0xffff;
	[tilespmem:s22+$0x10] =	vst v1  }
0xb6: {  	[tilespmem:s22+$0x20] =	vst v2  }
0xb7: {  	[tilespmem:s22+$0x30] =	vst v3  }
0xb8: {  	[tilespmem:s22+$0x40] =	vst v4  }
0xb9: {  	[tilespmem:s22+$0x50] =	vst v5  }
0xba: {  	[tilespmem:s22+$0x60] =	vst v0  }
.LBB1_12:
.Ltmp14:
0xbb: {  	(pc) =	sbr.rel @p1 .LBB1_15-.Ltmp14, $1  }
0xbc: {  	_ =	sdelay $0x3  }
0xbd: {  	s18 =	sshll.u32 s4, $0x9  }
0xbe: {  	s18 =	sshra.s32 s18, $0x2  }
0xbf: {  	s22 =	sand.u32 $0x380, s6;
	s23 =	sadd.s32 s18, s3  }
0xc0: {  	s18 =	sadd.s32 s22, s8;
	s22 =	smov.u32 s0;
	v0 =	vmov s23;
	s23 =	smov.u32 s30  }
.LBB1_14:
0xc1: {  	s24 =	sand.u32 $0x3C00, s22  }
0xc2: {  	s24 =	sadd.s32 s6, s24  }
0xc3: {  	s24 =	sand.u32 $0x3C00, s24  }
0xc4: {  	s12 =	sand.u32 $0x70, s23;
	s24 =	sadd.s32 s24, s18  }
0xc5: {  	s23 =	sadd.s32 $0x10, s23;
	s24 =	sadd.s32 s12, s24  }
0xc6: {  	p2 =	slt.s32 s23, s29;
	v1 =	vld [tilespmem:s24+$0x0]  }
.Ltmp15:
0xc7: {  	_ = 	snop;
	(pc) =	sbr.rel @p2 .LBB1_14-.Ltmp15, $2  }
0xc8: {  	_ =	sdelay $0x2  }
0xc9: {  	s22 =	sadd.s32 $0x80, s22;
	[tilespmem:v0+s12+$0x0 ss:$0x1] =	vst.idx.msk $0xffff, v1  }
.Ltmp16:
0xca: {  	_ = 	snop;
	(pc) =	sbr.rel .LBB1_15-.Ltmp16, $1  }
0xcb: {  	_ =	sdelay $0x3  }
.LBB1_20:
0xcc: {  	_ =	sfence.sel $0x180000  }
0xcd: {  	s0 =	simm.s32 $0x1;
	[bflag:$0x0] =	sbarrier.arrive $0xFFFF  }
0xce: {  	s30 =	simm.s32 $0x2;
	[sflag:s0] =	ssyncpa.u1 $0x1  }
0xcf: {  	[sflag:s30] =	ssyncpa.u1 $0x1  }
0xd0: {  	_ =	strace $0x9000004D  }
0xd1: {  	s31 =	stileid.u32;
	[bflag:$0x2] =	sbarrier.arrive $0xFFFF  }
0xd2: {  	p0 =	sne.s32 s31, $0x0;
	s0 =	rddreg [dreg:$0x2]  }
0xd3: {  	s0 =	sadd.s32 @!p0 $0x100000, s0  }
0xd4: {  	[sflag:s0] =	ssyncadd.tile.s32 @!p0 $0x1;
	_ =	shalt  }
.Lfunc_end1:
_tile_overlayer_lowered:
.L_overlay_start_2:
0xd5: {  	(tag) =	ssettag $0x2  }
0xd6: {  	s0 =	rddreg [dreg:$0x0];
	s2 =	stileid.u32  }
0xd7: {  	s1 =	rddreg [dreg:$0x1];
	p0 =	sne.s32 s2, $0x0  }
0xd8: {  	s3 =	rddreg [dreg:$0x2];
	[bflag:$0x3] =	sbarrier.arrive $0xFFFF;
	s2 =	simm.s32 @!p0 $0x1C01  }
0xd9: {  	[timem:s3], [sflag:s2] =	dma.local @!p0 [hbm:s0], s1  }
0xda: {  	s0 =	simm.s32 @!p0 $0x1  }
0xdb: {  	_ =	swait.ge @!p0 [sflag:s0], s1  }
0xdc: {  	s1 =	ssub.s32 @!p0 $0x0, s1;
	[sflag:s0] =	ssyncset.done @!p0 $0x0  }
0xdd: {  	[sflag:s0] =	ssyncadd.s32 @!p0 s1  }
0xde: {  	[bflag:$0x3] =	sbarrier.arrive $0xFFFF  }
0xdf: {  	_ =	shalt  }

</sc_bundles>
